<compile_context>
chip_gen: v7x
topology: tpu7x:2x2x1
jax: 0.10.2.dev20260603
libtpu: 0.0.44.dev20260713+nightly
codegen_flags: <defaults>
</compile_context>

<pallas_src>
import functools

import jax
import jax.numpy as jnp
from jax import lax
from jax.experimental import pallas as pl
from jax.experimental.pallas import tpu as pltpu
from jax.experimental.pallas import tpu_sc as plsc

B = 16384
V_CHR, V_STRAND, V_CAS9, V_SOURCE = 25, 2, 8, 16
VC = V_CHR * V_STRAND * V_CAS9 * V_SOURCE
HID = 64
BLK = 8192

NC, NS = 2, 16
NW = NC * NS
BPW = B // NW
CHUNK = 128
NCH = BPW // CHUNK
LANES = 16



PREP_GRID = 1
VCB = VC // PREP_GRID
TW = 72


def _prep_body(echrT_ref, estr_ref, ecas_ref, esrcT_ref, w1_ref, b1_ref,
               ichr_ref, istr_ref, icas_ref, isrc_ref, out_ref, cidx_ref):
    w1 = w1_ref[...]
    f32 = jnp.float32
    e_chr = jnp.transpose(echrT_ref[...])
    e_src = jnp.transpose(esrcT_ref[...])
    f_chr = jnp.dot(e_chr, w1[2:10, :], preferred_element_type=f32)
    f_str = jnp.dot(estr_ref[...], w1[10:12, :], preferred_element_type=f32)
    f_cas = jnp.dot(ecas_ref[...], w1[12:20, :], preferred_element_type=f32)
    f_src = jnp.dot(e_src, w1[20:28, :], preferred_element_type=f32)

    r = (jax.lax.broadcasted_iota(jnp.int32, (VCB, 1), 0)
         + pl.program_id(0) * VCB)
    c = r >> 8
    s = (r >> 7) & 1
    k = (r >> 4) & 7
    src = r & 15

    def oh(idx_col, V):
        iota = jax.lax.broadcasted_iota(jnp.int32, (1, V), 1)
        return (idx_col == iota).astype(f32)

    t = jnp.dot(oh(c, V_CHR), f_chr, preferred_element_type=f32)
    t = t + jnp.dot(oh(s, V_STRAND), f_str, preferred_element_type=f32)
    t = t + jnp.dot(oh(k, V_CAS9), f_cas, preferred_element_type=f32)
    t = t + jnp.dot(oh(src, V_SOURCE), f_src, preferred_element_type=f32)
    t = t + b1_ref[...]
    out_ref[:, 0:HID] = t

    cidx_ref[...] = ((ichr_ref[...] * 2 + istr_ref[...]) * 8
                     + icas_ref[...]) * 16 + isrc_ref[...]


def _prep(emb_chrT, emb_strand, emb_cas9, emb_sourceT, W1, b1,
          ichr2, istr2, icas2, isrc2):
    full = lambda i: (0, 0)
    data = lambda i: (i, 0)
    idxrows = B // 128 // PREP_GRID
    return pl.pallas_call(
        _prep_body,
        grid=(PREP_GRID,),
        in_specs=[
            pl.BlockSpec((8, V_CHR), full),
            pl.BlockSpec((V_STRAND, 2), full),
            pl.BlockSpec((V_CAS9, 8), full),
            pl.BlockSpec((8, V_SOURCE), full),
            pl.BlockSpec((28, 64), full),
            pl.BlockSpec((1, 64), full),
            pl.BlockSpec((idxrows, 128), data),
            pl.BlockSpec((idxrows, 128), data),
            pl.BlockSpec((idxrows, 128), data),
            pl.BlockSpec((idxrows, 128), data),
        ],
        out_specs=[pl.BlockSpec((VCB, 128), data),
                   pl.BlockSpec((idxrows, 128), data)],
        out_shape=[jax.ShapeDtypeStruct((VC, 128), jnp.float32),
                   jax.ShapeDtypeStruct((B // 128, 128), jnp.int32)],
    )(emb_chrT, emb_strand, emb_cas9, emb_sourceT, W1, b1,
      ichr2, istr2, icas2, isrc2)



def _sc_gather_body(table_h, cidx_h, xv_h,
                    z_out,
                    table_sp, cidx_v, x0_v, x1_v, z_v, sem, osem):
    wid = lax.axis_index("s") * NC + lax.axis_index("c")
    base = wid * BPW
    crow = wid * NCH

    @pl.when(lax.axis_index("s") == 0)
    def _stage_table():
        pltpu.sync_copy(table_h.at[:, pl.ds(0, TW)], table_sp)

    stage = [pltpu.async_copy(cidx_h.at[pl.ds(crow, NCH)], cidx_v, sem),
             pltpu.async_copy(xv_h.at[pl.ds(crow, NCH), 0], x0_v, sem),
             pltpu.async_copy(xv_h.at[pl.ds(crow, NCH), 1], x1_v, sem)]
    for c in stage:
        c.wait()

    plsc.subcore_barrier()

    copies = [pltpu.async_copy(table_sp.at[cidx_v.at[j]],
                               z_v.at[pl.ds(j * CHUNK, CHUNK)], sem)
              for j in range(NCH)]

    rows16 = lax.iota(jnp.int32, LANES)
    c64 = jnp.full((LANES,), 64, jnp.int32)
    c65 = jnp.full((LANES,), 65, jnp.int32)
    out_copies = []
    for j in range(NCH):
        copies[j].wait()

        def _insert_x(g, carry):
            o = j * CHUNK + g * LANES
            sl = pl.ds(g * LANES, LANES)
            plsc.store_scatter(z_v, [rows16 + o, c64], x0_v[j, sl])
            plsc.store_scatter(z_v, [rows16 + o, c65], x1_v[j, sl])
            return carry

        lax.fori_loop(0, CHUNK // LANES, _insert_x, 0, unroll=False)
        out_copies.append(
            pltpu.async_copy(z_v.at[pl.ds(j * CHUNK, CHUNK)],
                             z_out.at[pl.ds(base + j * CHUNK, CHUNK),
                                      pl.ds(0, TW)], osem))
    for c in out_copies:
        c.wait()


_sc_gather = functools.partial(
    pl.kernel,
    mesh=plsc.VectorSubcoreMesh(core_axis_name="c", subcore_axis_name="s"),
    compiler_params=pltpu.CompilerParams(use_tc_tiling_on_sc=False,
                                         needs_layout_passes=False),
    out_type=jax.ShapeDtypeStruct((B, 128), jnp.float32),
    scratch_types=[
        pltpu.VMEM_SHARED((VC, TW), jnp.float32),
        pltpu.VMEM((NCH, CHUNK), jnp.int32),
        pltpu.VMEM((NCH, CHUNK), jnp.float32),
        pltpu.VMEM((NCH, CHUNK), jnp.float32),
        pltpu.VMEM((BPW, TW), jnp.float32),
        pltpu.SemaphoreType.DMA,
        pltpu.SemaphoreType.DMA,
    ],
)(_sc_gather_body)



def _fin_body(z_ref, w1_ref, w2T_ref, b2T_ref, outT_ref):
    f32 = jnp.float32
    i32 = jnp.int32
    eye = (jax.lax.broadcasted_iota(i32, (HID, HID), 0)
           == jax.lax.broadcasted_iota(i32, (HID, HID), 1)).astype(f32)
    m = jnp.concatenate([eye, w1_ref[0:2, :]], axis=0)
    h = jnp.maximum(jnp.dot(z_ref[:, 0:66], m, preferred_element_type=f32), 0.0)
    outT = jax.lax.dot_general(w2T_ref[...], h, (((1,), (1,)), ((), ())),
                               preferred_element_type=f32)
    outT_ref[...] = outT + b2T_ref[...]


def _fin(z, W1, W2T, b2T):
    data = lambda i: (i, 0)
    dataT = lambda i: (0, i)
    full = lambda i: (0, 0)
    return pl.pallas_call(
        _fin_body,
        grid=(B // BLK,),
        in_specs=[
            pl.BlockSpec((BLK, 128), data),
            pl.BlockSpec((28, 64), full),
            pl.BlockSpec((32, 64), full),
            pl.BlockSpec((32, 1), full),
        ],
        out_specs=pl.BlockSpec((32, BLK), dataT),
        out_shape=jax.ShapeDtypeStruct((32, B), jnp.float32),
    )(z, W1, W2T, b2T)


@jax.jit
def _run(xv, ichr2, istr2, icas2, isrc2,
         emb_chrT, emb_strand, emb_cas9, emb_sourceT, W1, b1, W2T, b2T):
    table, cidx = _prep(emb_chrT, emb_strand, emb_cas9, emb_sourceT, W1, b1,
                        ichr2, istr2, icas2, isrc2)
    z = _sc_gather(table, cidx, xv)
    return jnp.transpose(_fin(z, W1, W2T, b2T))


def kernel(x_num, x_chr, x_strand, x_cas9, x_source,
           emb_chr, emb_strand, emb_cas9, emb_source,
           W1, b1, W2, b2):
    as2d = lambda a: a.astype(jnp.int32).reshape(B // 128, 128)
    xv = jnp.transpose(x_num.reshape(B // 128, 128, 2), (0, 2, 1))
    return _run(xv,
                as2d(x_chr), as2d(x_strand), as2d(x_cas9), as2d(x_source),
                jnp.transpose(emb_chr), emb_strand, emb_cas9,
                jnp.transpose(emb_source),
                W1, b1.reshape(1, 64), jnp.transpose(W2), b2.reshape(32, 1))

# --- scband reference (transcript-rebuilt; emitter-appended) ---
"""Pipeline reference for scband-metadata-encoder-5016521801941 (READ-ONLY COPY).

The authoritative reference and input builder live on the scoring server;
editing this copy changes nothing except your own understanding.
"""

import jax, jax.numpy as jnp
import numpy as np

B = 16384
V_CHR, V_STRAND, V_CAS9, V_SOURCE = 25, 2, 8, 16
D_CHR, D_STRAND, D_CAS9, D_SOURCE = 8, 2, 8, 8
NUM_IN = 2
IN_DIM = NUM_IN + D_CHR + D_STRAND + D_CAS9 + D_SOURCE  # 28
HID = 64
OUT = 32


def setup_inputs(seed: int = 0) -> dict:
    key = jax.random.key(seed)
    ks = jax.random.split(key, 13)
    x_num = jax.random.normal(ks[0], (B, NUM_IN), dtype=jnp.float32)
    x_chr = jax.random.randint(ks[1], (B,), 0, V_CHR)
    x_strand = jax.random.randint(ks[2], (B,), 0, V_STRAND)
    x_cas9 = jax.random.randint(ks[3], (B,), 0, V_CAS9)
    x_source = jax.random.randint(ks[4], (B,), 0, V_SOURCE)
    emb_chr = 0.02 * jax.random.normal(ks[5], (V_CHR, D_CHR), dtype=jnp.float32)
    emb_strand = 0.02 * jax.random.normal(ks[6], (V_STRAND, D_STRAND), dtype=jnp.float32)
    emb_cas9 = 0.02 * jax.random.normal(ks[7], (V_CAS9, D_CAS9), dtype=jnp.float32)
    emb_source = 0.02 * jax.random.normal(ks[8], (V_SOURCE, D_SOURCE), dtype=jnp.float32)
    W1 = jax.random.normal(ks[9], (IN_DIM, HID), dtype=jnp.float32) * (1.0 / np.sqrt(IN_DIM))
    b1 = jnp.zeros((HID,), dtype=jnp.float32)
    W2 = jax.random.normal(ks[10], (HID, OUT), dtype=jnp.float32) * (1.0 / np.sqrt(HID))
    b2 = jnp.zeros((OUT,), dtype=jnp.float32)
    return {
        'x_num': x_num, 'x_chr': x_chr, 'x_strand': x_strand,
        'x_cas9': x_cas9, 'x_source': x_source,
        'emb_chr': emb_chr, 'emb_strand': emb_strand,
        'emb_cas9': emb_cas9, 'emb_source': emb_source,
        'W1': W1, 'b1': b1, 'W2': W2, 'b2': b2,
    }


def reference(x_num, x_chr, x_strand, x_cas9, x_source,
              emb_chr, emb_strand, emb_cas9, emb_source,
              W1, b1, W2, b2):
    # embedding lookups (gathers)
    e_chr = jnp.take(emb_chr, x_chr, axis=0)
    e_strand = jnp.take(emb_strand, x_strand, axis=0)
    e_cas9 = jnp.take(emb_cas9, x_cas9, axis=0)
    e_source = jnp.take(emb_source, x_source, axis=0)
    x_cat = jnp.concatenate([e_chr, e_strand, e_cas9, e_source], axis=-1)
    z = jnp.concatenate([x_num, x_cat], axis=-1)
    h = jax.nn.relu(z @ W1 + b1)
    # dropout is identity in eval mode
    out = h @ W2 + b2
    return out

if __name__ == "__main__":
    import jax
    _d = setup_inputs()
    print(jax.jit(kernel)(*tuple(_d.values())))

</pallas_src>

<mosaic_0001>
#map = affine_map<(d0, d1) -> (0, 0)>
#map1 = affine_map<(d0, d1) -> (0, 0, 0)>
module attributes {stable_mosaic.version = 14 : i64} {
  func.func @_sc_gather_body(%arg0: i32, %arg1: i32, %arg2: memref<6400x128xf32, #tpu.memory_space<hbm>>, %arg3: memref<128x128xi32, #tpu.memory_space<hbm>>, %arg4: memref<128x2x128xf32, #tpu.memory_space<hbm>>, %arg5: memref<16384x128xf32, #tpu.memory_space<hbm>>, %arg6: memref<6400x72xf32, #tpu.memory_space<vmem_shared>>, %arg7: memref<4x128xi32, #tpu.memory_space<vmem>>, %arg8: memref<4x128xf32, #tpu.memory_space<vmem>>, %arg9: memref<4x128xf32, #tpu.memory_space<vmem>>, %arg10: memref<512x72xf32, #tpu.memory_space<vmem>>, %arg11: memref<!tpu.dma_semaphore, #tpu.memory_space<semaphore_mem>>, %arg12: memref<!tpu.dma_semaphore, #tpu.memory_space<semaphore_mem>>) attributes {dimension_semantics = [#tpu.dimension_semantics<core_parallel>, #tpu.dimension_semantics<subcore_parallel>], iteration_bounds = array<i64: 2, 16>, scalar_prefetch = 0 : i64, scratch_operands = 7 : i64, tpu.core_type = #tpu.core_type<sc_vector_subcore>, window_params = [{transform_indices = #map}, {transform_indices = #map}, {transform_indices = #map1}, {transform_indices = #map}]} {
    %mul3A = arith.constant 2 : i32
    %mul3A_0 = arith.muli %arg1, %mul3A : i32
    %add3A = arith.addi %mul3A_0, %arg0 : i32
    %mul3A_1 = arith.constant 512 : i32
    %mul3A_2 = arith.muli %add3A, %mul3A_1 : i32
    %mul3A_3 = arith.constant 4 : i32
    %mul3A_4 = arith.muli %add3A, %mul3A_3 : i32
    %eq3A = arith.constant 0 : i32
    %eq3A_5 = arith.cmpi eq, %arg1, %eq3A : i32
    %convert_element_type3A = arith.extui %eq3A_5 : i1 to i32
    %cond3A = arith.constant 0 : i32
    %cond3A_6 = arith.cmpi ne, %convert_element_type3A, %cond3A : i32
    scf.if %cond3A_6 {
      "tpu.region"() ({
        %run_scoped3A = tpu.sem_alloc : memref<!tpu.dma_semaphore, #tpu.memory_space<semaphore_mem>>
        %dma_start3A_235 = arith.constant 0 : i32
        %dma_start3A_236 = arith.constant 0 : i32
        %dma_start3A_237 = tpu.memref_slice %arg2[%dma_start3A_235, %dma_start3A_236] : memref<6400x128xf32, #tpu.memory_space<hbm>> -> memref<6400x72xf32, #tpu.memory_space<hbm>>
        tpu.enqueue_dma source(%dma_start3A_237 : memref<6400x72xf32, #tpu.memory_space<hbm>>) target(%arg6 : memref<6400x72xf32, #tpu.memory_space<vmem_shared>>) target_semaphore(%run_scoped3A : memref<!tpu.dma_semaphore, #tpu.memory_space<semaphore_mem>>)
        %dma_wait3A_238 = arith.constant 0 : i32
        %dma_wait3A_239 = arith.constant 0 : i32
        %dma_wait3A_240 = tpu.memref_slice %arg2[%dma_wait3A_238, %dma_wait3A_239] : memref<6400x128xf32, #tpu.memory_space<hbm>> -> memref<6400x72xf32, #tpu.memory_space<hbm>>
        tpu.wait_dma2 semaphore(%run_scoped3A : memref<!tpu.dma_semaphore, #tpu.memory_space<semaphore_mem>>) src(%dma_wait3A_240 : memref<6400x72xf32, #tpu.memory_space<hbm>>) dst(%arg6 : memref<6400x72xf32, #tpu.memory_space<vmem_shared>>)
        tpu.yield
      }) : () -> ()
    } else {
    }
    %dma_start3A = arith.constant 0 : i32
    %dma_start3A_7 = tpu.memref_slice %arg3[%mul3A_4, %dma_start3A] : memref<128x128xi32, #tpu.memory_space<hbm>> -> memref<4x128xi32, #tpu.memory_space<hbm>>
    %dma_start3A_8 = arith.constant 0 : i32
    %dma_start3A_9 = tpu.memref_slice %arg3[%mul3A_4, %dma_start3A_8] : memref<128x128xi32, #tpu.memory_space<hbm>> -> memref<4x128xi32, #tpu.memory_space<hbm>>
    tpu.enqueue_dma source(%dma_start3A_9 : memref<4x128xi32, #tpu.memory_space<hbm>>) target(%arg7 : memref<4x128xi32, #tpu.memory_space<vmem>>) target_semaphore(%arg11 : memref<!tpu.dma_semaphore, #tpu.memory_space<semaphore_mem>>)
    %dma_start3A_10 = arith.constant 0 : i32
    %dma_start3A_11 = arith.constant 0 : i32
    %dma_start3A_12 = tpu.memref_slice %arg4[%mul3A_4, %dma_start3A_10, %dma_start3A_11] : memref<128x2x128xf32, #tpu.memory_space<hbm>> -> memref<4x1x128xf32, #tpu.memory_space<hbm>>
    %dma_start3A_13 = tpu.memref_squeeze %dma_start3A_12 : memref<4x1x128xf32, #tpu.memory_space<hbm>> -> memref<4x128xf32, #tpu.memory_space<hbm>>
    %dma_start3A_14 = arith.constant 0 : i32
    %dma_start3A_15 = tpu.memref_slice %arg4[%mul3A_4, %dma_start3A_10, %dma_start3A_14] : memref<128x2x128xf32, #tpu.memory_space<hbm>> -> memref<4x1x128xf32, #tpu.memory_space<hbm>>
    %dma_start3A_16 = tpu.memref_squeeze %dma_start3A_15 : memref<4x1x128xf32, #tpu.memory_space<hbm>> -> memref<4x128xf32, #tpu.memory_space<hbm>>
    tpu.enqueue_dma source(%dma_start3A_16 : memref<4x128xf32, #tpu.memory_space<hbm>>) target(%arg8 : memref<4x128xf32, #tpu.memory_space<vmem>>) target_semaphore(%arg11 : memref<!tpu.dma_semaphore, #tpu.memory_space<semaphore_mem>>)
    %dma_start3A_17 = arith.constant 1 : i32
    %dma_start3A_18 = arith.constant 0 : i32
    %dma_start3A_19 = tpu.memref_slice %arg4[%mul3A_4, %dma_start3A_17, %dma_start3A_18] : memref<128x2x128xf32, #tpu.memory_space<hbm>> -> memref<4x1x128xf32, #tpu.memory_space<hbm>>
    %dma_start3A_20 = tpu.memref_squeeze %dma_start3A_19 : memref<4x1x128xf32, #tpu.memory_space<hbm>> -> memref<4x128xf32, #tpu.memory_space<hbm>>
    %dma_start3A_21 = arith.constant 0 : i32
    %dma_start3A_22 = tpu.memref_slice %arg4[%mul3A_4, %dma_start3A_17, %dma_start3A_21] : memref<128x2x128xf32, #tpu.memory_space<hbm>> -> memref<4x1x128xf32, #tpu.memory_space<hbm>>
    %dma_start3A_23 = tpu.memref_squeeze %dma_start3A_22 : memref<4x1x128xf32, #tpu.memory_space<hbm>> -> memref<4x128xf32, #tpu.memory_space<hbm>>
    tpu.enqueue_dma source(%dma_start3A_23 : memref<4x128xf32, #tpu.memory_space<hbm>>) target(%arg9 : memref<4x128xf32, #tpu.memory_space<vmem>>) target_semaphore(%arg11 : memref<!tpu.dma_semaphore, #tpu.memory_space<semaphore_mem>>)
    %dma_wait3A = arith.constant 0 : i32
    %dma_wait3A_24 = tpu.memref_slice %arg3[%mul3A_4, %dma_wait3A] : memref<128x128xi32, #tpu.memory_space<hbm>> -> memref<4x128xi32, #tpu.memory_space<hbm>>
    %dma_wait3A_25 = arith.constant 0 : i32
    %dma_wait3A_26 = tpu.memref_slice %arg3[%mul3A_4, %dma_wait3A_25] : memref<128x128xi32, #tpu.memory_space<hbm>> -> memref<4x128xi32, #tpu.memory_space<hbm>>
    tpu.wait_dma2 semaphore(%arg11 : memref<!tpu.dma_semaphore, #tpu.memory_space<semaphore_mem>>) src(%dma_wait3A_26 : memref<4x128xi32, #tpu.memory_space<hbm>>) dst(%arg7 : memref<4x128xi32, #tpu.memory_space<vmem>>)
    %dma_wait3A_27 = arith.constant 0 : i32
    %dma_wait3A_28 = arith.constant 0 : i32
    %dma_wait3A_29 = tpu.memref_slice %arg4[%mul3A_4, %dma_wait3A_27, %dma_wait3A_28] : memref<128x2x128xf32, #tpu.memory_space<hbm>> -> memref<4x1x128xf32, #tpu.memory_space<hbm>>
    %dma_wait3A_30 = tpu.memref_squeeze %dma_wait3A_29 : memref<4x1x128xf32, #tpu.memory_space<hbm>> -> memref<4x128xf32, #tpu.memory_space<hbm>>
    %dma_wait3A_31 = arith.constant 0 : i32
    %dma_wait3A_32 = tpu.memref_slice %arg4[%mul3A_4, %dma_wait3A_27, %dma_wait3A_31] : memref<128x2x128xf32, #tpu.memory_space<hbm>> -> memref<4x1x128xf32, #tpu.memory_space<hbm>>
    %dma_wait3A_33 = tpu.memref_squeeze %dma_wait3A_32 : memref<4x1x128xf32, #tpu.memory_space<hbm>> -> memref<4x128xf32, #tpu.memory_space<hbm>>
    tpu.wait_dma2 semaphore(%arg11 : memref<!tpu.dma_semaphore, #tpu.memory_space<semaphore_mem>>) src(%dma_wait3A_33 : memref<4x128xf32, #tpu.memory_space<hbm>>) dst(%arg8 : memref<4x128xf32, #tpu.memory_space<vmem>>)
    %dma_wait3A_34 = arith.constant 1 : i32
    %dma_wait3A_35 = arith.constant 0 : i32
    %dma_wait3A_36 = tpu.memref_slice %arg4[%mul3A_4, %dma_wait3A_34, %dma_wait3A_35] : memref<128x2x128xf32, #tpu.memory_space<hbm>> -> memref<4x1x128xf32, #tpu.memory_space<hbm>>
    %dma_wait3A_37 = tpu.memref_squeeze %dma_wait3A_36 : memref<4x1x128xf32, #tpu.memory_space<hbm>> -> memref<4x128xf32, #tpu.memory_space<hbm>>
    %dma_wait3A_38 = arith.constant 0 : i32
    %dma_wait3A_39 = tpu.memref_slice %arg4[%mul3A_4, %dma_wait3A_34, %dma_wait3A_38] : memref<128x2x128xf32, #tpu.memory_space<hbm>> -> memref<4x1x128xf32, #tpu.memory_space<hbm>>
    %dma_wait3A_40 = tpu.memref_squeeze %dma_wait3A_39 : memref<4x1x128xf32, #tpu.memory_space<hbm>> -> memref<4x128xf32, #tpu.memory_space<hbm>>
    tpu.wait_dma2 semaphore(%arg11 : memref<!tpu.dma_semaphore, #tpu.memory_space<semaphore_mem>>) src(%dma_wait3A_40 : memref<4x128xf32, #tpu.memory_space<hbm>>) dst(%arg9 : memref<4x128xf32, #tpu.memory_space<vmem>>)
    %barrier3A = arith.constant 0 : index
    tpu.barrier barrier_id(%barrier3A)
    %dma_start3A_41 = arith.constant 0 : i32
    %dma_start3A_42 = arith.constant 0 : i32
    %dma_start3A_43 = arith.constant 0 : i32
    %dma_start3A_44 = tpu.memref_slice %arg10[%dma_start3A_42, %dma_start3A_43] : memref<512x72xf32, #tpu.memory_space<vmem>> -> memref<128x72xf32, #tpu.memory_space<vmem>>
    %dma_start3A_45 = arith.constant 0 : i32
    %dma_start3A_46 = tpu.memref_slice %arg7[%dma_start3A_41, %dma_start3A_45] : memref<4x128xi32, #tpu.memory_space<vmem>> -> memref<1x128xi32, #tpu.memory_space<vmem>>
    %dma_start3A_47 = tpu.memref_squeeze %dma_start3A_46 : memref<1x128xi32, #tpu.memory_space<vmem>> -> memref<128xi32, #tpu.memory_space<vmem>>
    %dma_start3A_48 = arith.constant 0 : i32
    %dma_start3A_49 = arith.constant 0 : i32
    %dma_start3A_50 = tpu.memref_slice %arg6[%dma_start3A_48, %dma_start3A_49] : memref<6400x72xf32, #tpu.memory_space<vmem_shared>> -> memref<6400x72xf32, #tpu.memory_space<vmem_shared>>
    tpu.enqueue_indirect_dma source(%dma_start3A_50 : memref<6400x72xf32, #tpu.memory_space<vmem_shared>>) target(%dma_start3A_44 : memref<128x72xf32, #tpu.memory_space<vmem>>) offsets(%dma_start3A_47 : memref<128xi32, #tpu.memory_space<vmem>>) semaphore(%arg11 : memref<!tpu.dma_semaphore, #tpu.memory_space<semaphore_mem>>)
    %dma_start3A_51 = arith.constant 1 : i32
    %dma_start3A_52 = arith.constant 128 : i32
    %dma_start3A_53 = arith.constant 0 : i32
    %dma_start3A_54 = tpu.memref_slice %arg10[%dma_start3A_52, %dma_start3A_53] : memref<512x72xf32, #tpu.memory_space<vmem>> -> memref<128x72xf32, #tpu.memory_space<vmem>>
    %dma_start3A_55 = arith.constant 0 : i32
    %dma_start3A_56 = tpu.memref_slice %arg7[%dma_start3A_51, %dma_start3A_55] : memref<4x128xi32, #tpu.memory_space<vmem>> -> memref<1x128xi32, #tpu.memory_space<vmem>>
    %dma_start3A_57 = tpu.memref_squeeze %dma_start3A_56 : memref<1x128xi32, #tpu.memory_space<vmem>> -> memref<128xi32, #tpu.memory_space<vmem>>
    %dma_start3A_58 = arith.constant 0 : i32
    %dma_start3A_59 = arith.constant 0 : i32
    %dma_start3A_60 = tpu.memref_slice %arg6[%dma_start3A_58, %dma_start3A_59] : memref<6400x72xf32, #tpu.memory_space<vmem_shared>> -> memref<6400x72xf32, #tpu.memory_space<vmem_shared>>
    tpu.enqueue_indirect_dma source(%dma_start3A_60 : memref<6400x72xf32, #tpu.memory_space<vmem_shared>>) target(%dma_start3A_54 : memref<128x72xf32, #tpu.memory_space<vmem>>) offsets(%dma_start3A_57 : memref<128xi32, #tpu.memory_space<vmem>>) semaphore(%arg11 : memref<!tpu.dma_semaphore, #tpu.memory_space<semaphore_mem>>)
    %dma_start3A_61 = arith.constant 2 : i32
    %dma_start3A_62 = arith.constant 256 : i32
    %dma_start3A_63 = arith.constant 0 : i32
    %dma_start3A_64 = tpu.memref_slice %arg10[%dma_start3A_62, %dma_start3A_63] : memref<512x72xf32, #tpu.memory_space<vmem>> -> memref<128x72xf32, #tpu.memory_space<vmem>>
    %dma_start3A_65 = arith.constant 0 : i32
    %dma_start3A_66 = tpu.memref_slice %arg7[%dma_start3A_61, %dma_start3A_65] : memref<4x128xi32, #tpu.memory_space<vmem>> -> memref<1x128xi32, #tpu.memory_space<vmem>>
    %dma_start3A_67 = tpu.memref_squeeze %dma_start3A_66 : memref<1x128xi32, #tpu.memory_space<vmem>> -> memref<128xi32, #tpu.memory_space<vmem>>
    %dma_start3A_68 = arith.constant 0 : i32
    %dma_start3A_69 = arith.constant 0 : i32
    %dma_start3A_70 = tpu.memref_slice %arg6[%dma_start3A_68, %dma_start3A_69] : memref<6400x72xf32, #tpu.memory_space<vmem_shared>> -> memref<6400x72xf32, #tpu.memory_space<vmem_shared>>
    tpu.enqueue_indirect_dma source(%dma_start3A_70 : memref<6400x72xf32, #tpu.memory_space<vmem_shared>>) target(%dma_start3A_64 : memref<128x72xf32, #tpu.memory_space<vmem>>) offsets(%dma_start3A_67 : memref<128xi32, #tpu.memory_space<vmem>>) semaphore(%arg11 : memref<!tpu.dma_semaphore, #tpu.memory_space<semaphore_mem>>)
    %dma_start3A_71 = arith.constant 3 : i32
    %dma_start3A_72 = arith.constant 384 : i32
    %dma_start3A_73 = arith.constant 0 : i32
    %dma_start3A_74 = tpu.memref_slice %arg10[%dma_start3A_72, %dma_start3A_73] : memref<512x72xf32, #tpu.memory_space<vmem>> -> memref<128x72xf32, #tpu.memory_space<vmem>>
    %dma_start3A_75 = arith.constant 0 : i32
    %dma_start3A_76 = tpu.memref_slice %arg7[%dma_start3A_71, %dma_start3A_75] : memref<4x128xi32, #tpu.memory_space<vmem>> -> memref<1x128xi32, #tpu.memory_space<vmem>>
    %dma_start3A_77 = tpu.memref_squeeze %dma_start3A_76 : memref<1x128xi32, #tpu.memory_space<vmem>> -> memref<128xi32, #tpu.memory_space<vmem>>
    %dma_start3A_78 = arith.constant 0 : i32
    %dma_start3A_79 = arith.constant 0 : i32
    %dma_start3A_80 = tpu.memref_slice %arg6[%dma_start3A_78, %dma_start3A_79] : memref<6400x72xf32, #tpu.memory_space<vmem_shared>> -> memref<6400x72xf32, #tpu.memory_space<vmem_shared>>
    tpu.enqueue_indirect_dma source(%dma_start3A_80 : memref<6400x72xf32, #tpu.memory_space<vmem_shared>>) target(%dma_start3A_74 : memref<128x72xf32, #tpu.memory_space<vmem>>) offsets(%dma_start3A_77 : memref<128xi32, #tpu.memory_space<vmem>>) semaphore(%arg11 : memref<!tpu.dma_semaphore, #tpu.memory_space<semaphore_mem>>)
    %iota3A = tpu.iota {dimensions = array<i32: 0>} : vector<16xi32>
    %broadcast_in_dim3A = arith.constant 64 : i32
    %broadcast_in_dim3A_81 = vector.broadcast %broadcast_in_dim3A : i32 to vector<16xi32>
    %broadcast_in_dim3A_82 = arith.constant 65 : i32
    %broadcast_in_dim3A_83 = vector.broadcast %broadcast_in_dim3A_82 : i32 to vector<16xi32>
    %dma_wait3A_84 = arith.constant 0 : i32
    %dma_wait3A_85 = arith.constant 0 : i32
    %dma_wait3A_86 = arith.constant 0 : i32
    %dma_wait3A_87 = tpu.memref_slice %arg10[%dma_wait3A_85, %dma_wait3A_86] : memref<512x72xf32, #tpu.memory_space<vmem>> -> memref<128x72xf32, #tpu.memory_space<vmem>>
    %dma_wait3A_88 = arith.constant 0 : i32
    %dma_wait3A_89 = tpu.memref_slice %arg7[%dma_wait3A_84, %dma_wait3A_88] : memref<4x128xi32, #tpu.memory_space<vmem>> -> memref<1x128xi32, #tpu.memory_space<vmem>>
    %dma_wait3A_90 = tpu.memref_squeeze %dma_wait3A_89 : memref<1x128xi32, #tpu.memory_space<vmem>> -> memref<128xi32, #tpu.memory_space<vmem>>
    %dma_wait3A_91 = arith.constant 0 : i32
    %dma_wait3A_92 = arith.constant 0 : i32
    %dma_wait3A_93 = tpu.memref_slice %arg6[%dma_wait3A_91, %dma_wait3A_92] : memref<6400x72xf32, #tpu.memory_space<vmem_shared>> -> memref<6400x72xf32, #tpu.memory_space<vmem_shared>>
    tpu.wait_indirect_dma semaphore(%arg11 : memref<!tpu.dma_semaphore, #tpu.memory_space<semaphore_mem>>) src(%dma_wait3A_93 : memref<6400x72xf32, #tpu.memory_space<vmem_shared>>) dst(%dma_wait3A_87 : memref<128x72xf32, #tpu.memory_space<vmem>>)
    %scan3A = arith.constant 0 : i32
    %scan3A_94 = arith.constant 0 : i32
    %scan3A_95 = arith.constant 8 : i32
    %scan3A_96 = arith.addi %scan3A_94, %scan3A_95 : i32
    %scan3A_97 = arith.constant 1 : i32
    scf.for %scan3A_235 = %scan3A_94 to %scan3A_96 step %scan3A_97  : i32 {
      %mul3A_236 = arith.constant 16 : i32
      %mul3A_237 = arith.muli %scan3A_235, %mul3A_236 : i32
      %add3A_238 = arith.constant 0 : i32
      %add3A_239 = arith.addi %add3A_238, %mul3A_237 : i32
      %mul3A_240 = arith.constant 16 : i32
      %mul3A_241 = arith.muli %scan3A_235, %mul3A_240 : i32
      %add3A_242 = vector.broadcast %add3A_239 : i32 to vector<16xi32>
      %add3A_243 = arith.addi %iota3A, %add3A_242 : vector<16xi32>
      %get3A = arith.constant 0 : i32
      %get3A_244 = arith.index_cast %get3A : i32 to index
      %get3A_245 = arith.index_cast %mul3A_241 : i32 to index
      %get3A_246 = tpu.vector_load %arg8[%get3A_244, %get3A_245] {strides = array<i32>} : memref<4x128xf32, #tpu.memory_space<vmem>>, vector<16xf32>,
      tpu.vector_store_idx %arg10[%add3A_243, %broadcast_in_dim3A_81], %get3A_246 : memref<512x72xf32, #tpu.memory_space<vmem>>[vector<16xi32>, vector<16xi32>], vector<16xf32>,
      %add3A_247 = vector.broadcast %add3A_239 : i32 to vector<16xi32>
      %add3A_248 = arith.addi %iota3A, %add3A_247 : vector<16xi32>
      %get3A_249 = arith.constant 0 : i32
      %get3A_250 = arith.index_cast %get3A_249 : i32 to index
      %get3A_251 = arith.index_cast %mul3A_241 : i32 to index
      %get3A_252 = tpu.vector_load %arg9[%get3A_250, %get3A_251] {strides = array<i32>} : memref<4x128xf32, #tpu.memory_space<vmem>>, vector<16xf32>,
      tpu.vector_store_idx %arg10[%add3A_248, %broadcast_in_dim3A_83], %get3A_252 : memref<512x72xf32, #tpu.memory_space<vmem>>[vector<16xi32>, vector<16xi32>], vector<16xf32>,
    }
    %scan3A_98 = arith.constant 8 : i32
    %add3A_99 = arith.constant 0 : i32
    %add3A_100 = arith.addi %mul3A_2, %add3A_99 : i32
    %dma_start3A_101 = arith.constant 0 : i32
    %dma_start3A_102 = arith.constant 0 : i32
    %dma_start3A_103 = tpu.memref_slice %arg10[%dma_start3A_101, %dma_start3A_102] : memref<512x72xf32, #tpu.memory_space<vmem>> -> memref<128x72xf32, #tpu.memory_space<vmem>>
    %dma_start3A_104 = arith.constant 0 : i32
    %dma_start3A_105 = tpu.memref_slice %arg5[%add3A_100, %dma_start3A_104] : memref<16384x128xf32, #tpu.memory_space<hbm>> -> memref<128x72xf32, #tpu.memory_space<hbm>>
    %dma_start3A_106 = arith.constant 0 : i32
    %dma_start3A_107 = tpu.memref_slice %arg5[%add3A_100, %dma_start3A_106] : memref<16384x128xf32, #tpu.memory_space<hbm>> -> memref<128x72xf32, #tpu.memory_space<hbm>>
    %dma_start3A_108 = arith.constant 0 : i32
    %dma_start3A_109 = arith.constant 0 : i32
    %dma_start3A_110 = tpu.memref_slice %arg10[%dma_start3A_108, %dma_start3A_109] : memref<512x72xf32, #tpu.memory_space<vmem>> -> memref<128x72xf32, #tpu.memory_space<vmem>>
    tpu.enqueue_dma source(%dma_start3A_110 : memref<128x72xf32, #tpu.memory_space<vmem>>) target(%dma_start3A_107 : memref<128x72xf32, #tpu.memory_space<hbm>>) target_semaphore(%arg12 : memref<!tpu.dma_semaphore, #tpu.memory_space<semaphore_mem>>)
    %dma_wait3A_111 = arith.constant 1 : i32
    %dma_wait3A_112 = arith.constant 128 : i32
    %dma_wait3A_113 = arith.constant 0 : i32
    %dma_wait3A_114 = tpu.memref_slice %arg10[%dma_wait3A_112, %dma_wait3A_113] : memref<512x72xf32, #tpu.memory_space<vmem>> -> memref<128x72xf32, #tpu.memory_space<vmem>>
    %dma_wait3A_115 = arith.constant 0 : i32
    %dma_wait3A_116 = tpu.memref_slice %arg7[%dma_wait3A_111, %dma_wait3A_115] : memref<4x128xi32, #tpu.memory_space<vmem>> -> memref<1x128xi32, #tpu.memory_space<vmem>>
    %dma_wait3A_117 = tpu.memref_squeeze %dma_wait3A_116 : memref<1x128xi32, #tpu.memory_space<vmem>> -> memref<128xi32, #tpu.memory_space<vmem>>
    %dma_wait3A_118 = arith.constant 0 : i32
    %dma_wait3A_119 = arith.constant 0 : i32
    %dma_wait3A_120 = tpu.memref_slice %arg6[%dma_wait3A_118, %dma_wait3A_119] : memref<6400x72xf32, #tpu.memory_space<vmem_shared>> -> memref<6400x72xf32, #tpu.memory_space<vmem_shared>>
    tpu.wait_indirect_dma semaphore(%arg11 : memref<!tpu.dma_semaphore, #tpu.memory_space<semaphore_mem>>) src(%dma_wait3A_120 : memref<6400x72xf32, #tpu.memory_space<vmem_shared>>) dst(%dma_wait3A_114 : memref<128x72xf32, #tpu.memory_space<vmem>>)
    %scan3A_121 = arith.constant 0 : i32
    %scan3A_122 = arith.constant 0 : i32
    %scan3A_123 = arith.constant 8 : i32
    %scan3A_124 = arith.addi %scan3A_122, %scan3A_123 : i32
    %scan3A_125 = arith.constant 1 : i32
    scf.for %scan3A_235 = %scan3A_122 to %scan3A_124 step %scan3A_125  : i32 {
      %mul3A_236 = arith.constant 16 : i32
      %mul3A_237 = arith.muli %scan3A_235, %mul3A_236 : i32
      %add3A_238 = arith.constant 128 : i32
      %add3A_239 = arith.addi %add3A_238, %mul3A_237 : i32
      %mul3A_240 = arith.constant 16 : i32
      %mul3A_241 = arith.muli %scan3A_235, %mul3A_240 : i32
      %add3A_242 = vector.broadcast %add3A_239 : i32 to vector<16xi32>
      %add3A_243 = arith.addi %iota3A, %add3A_242 : vector<16xi32>
      %get3A = arith.constant 1 : i32
      %get3A_244 = arith.index_cast %get3A : i32 to index
      %get3A_245 = arith.index_cast %mul3A_241 : i32 to index
      %get3A_246 = tpu.vector_load %arg8[%get3A_244, %get3A_245] {strides = array<i32>} : memref<4x128xf32, #tpu.memory_space<vmem>>, vector<16xf32>,
      tpu.vector_store_idx %arg10[%add3A_243, %broadcast_in_dim3A_81], %get3A_246 : memref<512x72xf32, #tpu.memory_space<vmem>>[vector<16xi32>, vector<16xi32>], vector<16xf32>,
      %add3A_247 = vector.broadcast %add3A_239 : i32 to vector<16xi32>
      %add3A_248 = arith.addi %iota3A, %add3A_247 : vector<16xi32>
      %get3A_249 = arith.constant 1 : i32
      %get3A_250 = arith.index_cast %get3A_249 : i32 to index
      %get3A_251 = arith.index_cast %mul3A_241 : i32 to index
      %get3A_252 = tpu.vector_load %arg9[%get3A_250, %get3A_251] {strides = array<i32>} : memref<4x128xf32, #tpu.memory_space<vmem>>, vector<16xf32>,
      tpu.vector_store_idx %arg10[%add3A_248, %broadcast_in_dim3A_83], %get3A_252 : memref<512x72xf32, #tpu.memory_space<vmem>>[vector<16xi32>, vector<16xi32>], vector<16xf32>,
    }
    %scan3A_126 = arith.constant 8 : i32
    %add3A_127 = arith.constant 128 : i32
    %add3A_128 = arith.addi %mul3A_2, %add3A_127 : i32
    %dma_start3A_129 = arith.constant 128 : i32
    %dma_start3A_130 = arith.constant 0 : i32
    %dma_start3A_131 = tpu.memref_slice %arg10[%dma_start3A_129, %dma_start3A_130] : memref<512x72xf32, #tpu.memory_space<vmem>> -> memref<128x72xf32, #tpu.memory_space<vmem>>
    %dma_start3A_132 = arith.constant 0 : i32
    %dma_start3A_133 = tpu.memref_slice %arg5[%add3A_128, %dma_start3A_132] : memref<16384x128xf32, #tpu.memory_space<hbm>> -> memref<128x72xf32, #tpu.memory_space<hbm>>
    %dma_start3A_134 = arith.constant 0 : i32
    %dma_start3A_135 = tpu.memref_slice %arg5[%add3A_128, %dma_start3A_134] : memref<16384x128xf32, #tpu.memory_space<hbm>> -> memref<128x72xf32, #tpu.memory_space<hbm>>
    %dma_start3A_136 = arith.constant 128 : i32
    %dma_start3A_137 = arith.constant 0 : i32
    %dma_start3A_138 = tpu.memref_slice %arg10[%dma_start3A_136, %dma_start3A_137] : memref<512x72xf32, #tpu.memory_space<vmem>> -> memref<128x72xf32, #tpu.memory_space<vmem>>
    tpu.enqueue_dma source(%dma_start3A_138 : memref<128x72xf32, #tpu.memory_space<vmem>>) target(%dma_start3A_135 : memref<128x72xf32, #tpu.memory_space<hbm>>) target_semaphore(%arg12 : memref<!tpu.dma_semaphore, #tpu.memory_space<semaphore_mem>>)
    %dma_wait3A_139 = arith.constant 2 : i32
    %dma_wait3A_140 = arith.constant 256 : i32
    %dma_wait3A_141 = arith.constant 0 : i32
    %dma_wait3A_142 = tpu.memref_slice %arg10[%dma_wait3A_140, %dma_wait3A_141] : memref<512x72xf32, #tpu.memory_space<vmem>> -> memref<128x72xf32, #tpu.memory_space<vmem>>
    %dma_wait3A_143 = arith.constant 0 : i32
    %dma_wait3A_144 = tpu.memref_slice %arg7[%dma_wait3A_139, %dma_wait3A_143] : memref<4x128xi32, #tpu.memory_space<vmem>> -> memref<1x128xi32, #tpu.memory_space<vmem>>
    %dma_wait3A_145 = tpu.memref_squeeze %dma_wait3A_144 : memref<1x128xi32, #tpu.memory_space<vmem>> -> memref<128xi32, #tpu.memory_space<vmem>>
    %dma_wait3A_146 = arith.constant 0 : i32
    %dma_wait3A_147 = arith.constant 0 : i32
    %dma_wait3A_148 = tpu.memref_slice %arg6[%dma_wait3A_146, %dma_wait3A_147] : memref<6400x72xf32, #tpu.memory_space<vmem_shared>> -> memref<6400x72xf32, #tpu.memory_space<vmem_shared>>
    tpu.wait_indirect_dma semaphore(%arg11 : memref<!tpu.dma_semaphore, #tpu.memory_space<semaphore_mem>>) src(%dma_wait3A_148 : memref<6400x72xf32, #tpu.memory_space<vmem_shared>>) dst(%dma_wait3A_142 : memref<128x72xf32, #tpu.memory_space<vmem>>)
    %scan3A_149 = arith.constant 0 : i32
    %scan3A_150 = arith.constant 0 : i32
    %scan3A_151 = arith.constant 8 : i32
    %scan3A_152 = arith.addi %scan3A_150, %scan3A_151 : i32
    %scan3A_153 = arith.constant 1 : i32
    scf.for %scan3A_235 = %scan3A_150 to %scan3A_152 step %scan3A_153  : i32 {
      %mul3A_236 = arith.constant 16 : i32
      %mul3A_237 = arith.muli %scan3A_235, %mul3A_236 : i32
      %add3A_238 = arith.constant 256 : i32
      %add3A_239 = arith.addi %add3A_238, %mul3A_237 : i32
      %mul3A_240 = arith.constant 16 : i32
      %mul3A_241 = arith.muli %scan3A_235, %mul3A_240 : i32
      %add3A_242 = vector.broadcast %add3A_239 : i32 to vector<16xi32>
      %add3A_243 = arith.addi %iota3A, %add3A_242 : vector<16xi32>
      %get3A = arith.constant 2 : i32
      %get3A_244 = arith.index_cast %get3A : i32 to index
      %get3A_245 = arith.index_cast %mul3A_241 : i32 to index
      %get3A_246 = tpu.vector_load %arg8[%get3A_244, %get3A_245] {strides = array<i32>} : memref<4x128xf32, #tpu.memory_space<vmem>>, vector<16xf32>,
      tpu.vector_store_idx %arg10[%add3A_243, %broadcast_in_dim3A_81], %get3A_246 : memref<512x72xf32, #tpu.memory_space<vmem>>[vector<16xi32>, vector<16xi32>], vector<16xf32>,
      %add3A_247 = vector.broadcast %add3A_239 : i32 to vector<16xi32>
      %add3A_248 = arith.addi %iota3A, %add3A_247 : vector<16xi32>
      %get3A_249 = arith.constant 2 : i32
      %get3A_250 = arith.index_cast %get3A_249 : i32 to index
      %get3A_251 = arith.index_cast %mul3A_241 : i32 to index
      %get3A_252 = tpu.vector_load %arg9[%get3A_250, %get3A_251] {strides = array<i32>} : memref<4x128xf32, #tpu.memory_space<vmem>>, vector<16xf32>,
      tpu.vector_store_idx %arg10[%add3A_248, %broadcast_in_dim3A_83], %get3A_252 : memref<512x72xf32, #tpu.memory_space<vmem>>[vector<16xi32>, vector<16xi32>], vector<16xf32>,
    }
    %scan3A_154 = arith.constant 8 : i32
    %add3A_155 = arith.constant 256 : i32
    %add3A_156 = arith.addi %mul3A_2, %add3A_155 : i32
    %dma_start3A_157 = arith.constant 256 : i32
    %dma_start3A_158 = arith.constant 0 : i32
    %dma_start3A_159 = tpu.memref_slice %arg10[%dma_start3A_157, %dma_start3A_158] : memref<512x72xf32, #tpu.memory_space<vmem>> -> memref<128x72xf32, #tpu.memory_space<vmem>>
    %dma_start3A_160 = arith.constant 0 : i32
    %dma_start3A_161 = tpu.memref_slice %arg5[%add3A_156, %dma_start3A_160] : memref<16384x128xf32, #tpu.memory_space<hbm>> -> memref<128x72xf32, #tpu.memory_space<hbm>>
    %dma_start3A_162 = arith.constant 0 : i32
    %dma_start3A_163 = tpu.memref_slice %arg5[%add3A_156, %dma_start3A_162] : memref<16384x128xf32, #tpu.memory_space<hbm>> -> memref<128x72xf32, #tpu.memory_space<hbm>>
    %dma_start3A_164 = arith.constant 256 : i32
    %dma_start3A_165 = arith.constant 0 : i32
    %dma_start3A_166 = tpu.memref_slice %arg10[%dma_start3A_164, %dma_start3A_165] : memref<512x72xf32, #tpu.memory_space<vmem>> -> memref<128x72xf32, #tpu.memory_space<vmem>>
    tpu.enqueue_dma source(%dma_start3A_166 : memref<128x72xf32, #tpu.memory_space<vmem>>) target(%dma_start3A_163 : memref<128x72xf32, #tpu.memory_space<hbm>>) target_semaphore(%arg12 : memref<!tpu.dma_semaphore, #tpu.memory_space<semaphore_mem>>)
    %dma_wait3A_167 = arith.constant 3 : i32
    %dma_wait3A_168 = arith.constant 384 : i32
    %dma_wait3A_169 = arith.constant 0 : i32
    %dma_wait3A_170 = tpu.memref_slice %arg10[%dma_wait3A_168, %dma_wait3A_169] : memref<512x72xf32, #tpu.memory_space<vmem>> -> memref<128x72xf32, #tpu.memory_space<vmem>>
    %dma_wait3A_171 = arith.constant 0 : i32
    %dma_wait3A_172 = tpu.memref_slice %arg7[%dma_wait3A_167, %dma_wait3A_171] : memref<4x128xi32, #tpu.memory_space<vmem>> -> memref<1x128xi32, #tpu.memory_space<vmem>>
    %dma_wait3A_173 = tpu.memref_squeeze %dma_wait3A_172 : memref<1x128xi32, #tpu.memory_space<vmem>> -> memref<128xi32, #tpu.memory_space<vmem>>
    %dma_wait3A_174 = arith.constant 0 : i32
    %dma_wait3A_175 = arith.constant 0 : i32
    %dma_wait3A_176 = tpu.memref_slice %arg6[%dma_wait3A_174, %dma_wait3A_175] : memref<6400x72xf32, #tpu.memory_space<vmem_shared>> -> memref<6400x72xf32, #tpu.memory_space<vmem_shared>>
    tpu.wait_indirect_dma semaphore(%arg11 : memref<!tpu.dma_semaphore, #tpu.memory_space<semaphore_mem>>) src(%dma_wait3A_176 : memref<6400x72xf32, #tpu.memory_space<vmem_shared>>) dst(%dma_wait3A_170 : memref<128x72xf32, #tpu.memory_space<vmem>>)
    %scan3A_177 = arith.constant 0 : i32
    %scan3A_178 = arith.constant 0 : i32
    %scan3A_179 = arith.constant 8 : i32
    %scan3A_180 = arith.addi %scan3A_178, %scan3A_179 : i32
    %scan3A_181 = arith.constant 1 : i32
    scf.for %scan3A_235 = %scan3A_178 to %scan3A_180 step %scan3A_181  : i32 {
      %mul3A_236 = arith.constant 16 : i32
      %mul3A_237 = arith.muli %scan3A_235, %mul3A_236 : i32
      %add3A_238 = arith.constant 384 : i32
      %add3A_239 = arith.addi %add3A_238, %mul3A_237 : i32
      %mul3A_240 = arith.constant 16 : i32
      %mul3A_241 = arith.muli %scan3A_235, %mul3A_240 : i32
      %add3A_242 = vector.broadcast %add3A_239 : i32 to vector<16xi32>
      %add3A_243 = arith.addi %iota3A, %add3A_242 : vector<16xi32>
      %get3A = arith.constant 3 : i32
      %get3A_244 = arith.index_cast %get3A : i32 to index
      %get3A_245 = arith.index_cast %mul3A_241 : i32 to index
      %get3A_246 = tpu.vector_load %arg8[%get3A_244, %get3A_245] {strides = array<i32>} : memref<4x128xf32, #tpu.memory_space<vmem>>, vector<16xf32>,
      tpu.vector_store_idx %arg10[%add3A_243, %broadcast_in_dim3A_81], %get3A_246 : memref<512x72xf32, #tpu.memory_space<vmem>>[vector<16xi32>, vector<16xi32>], vector<16xf32>,
      %add3A_247 = vector.broadcast %add3A_239 : i32 to vector<16xi32>
      %add3A_248 = arith.addi %iota3A, %add3A_247 : vector<16xi32>
      %get3A_249 = arith.constant 3 : i32
      %get3A_250 = arith.index_cast %get3A_249 : i32 to index
      %get3A_251 = arith.index_cast %mul3A_241 : i32 to index
      %get3A_252 = tpu.vector_load %arg9[%get3A_250, %get3A_251] {strides = array<i32>} : memref<4x128xf32, #tpu.memory_space<vmem>>, vector<16xf32>,
      tpu.vector_store_idx %arg10[%add3A_248, %broadcast_in_dim3A_83], %get3A_252 : memref<512x72xf32, #tpu.memory_space<vmem>>[vector<16xi32>, vector<16xi32>], vector<16xf32>,
    }
    %scan3A_182 = arith.constant 8 : i32
    %add3A_183 = arith.constant 384 : i32
    %add3A_184 = arith.addi %mul3A_2, %add3A_183 : i32
    %dma_start3A_185 = arith.constant 384 : i32
    %dma_start3A_186 = arith.constant 0 : i32
    %dma_start3A_187 = tpu.memref_slice %arg10[%dma_start3A_185, %dma_start3A_186] : memref<512x72xf32, #tpu.memory_space<vmem>> -> memref<128x72xf32, #tpu.memory_space<vmem>>
    %dma_start3A_188 = arith.constant 0 : i32
    %dma_start3A_189 = tpu.memref_slice %arg5[%add3A_184, %dma_start3A_188] : memref<16384x128xf32, #tpu.memory_space<hbm>> -> memref<128x72xf32, #tpu.memory_space<hbm>>
    %dma_start3A_190 = arith.constant 0 : i32
    %dma_start3A_191 = tpu.memref_slice %arg5[%add3A_184, %dma_start3A_190] : memref<16384x128xf32, #tpu.memory_space<hbm>> -> memref<128x72xf32, #tpu.memory_space<hbm>>
    %dma_start3A_192 = arith.constant 384 : i32
    %dma_start3A_193 = arith.constant 0 : i32
    %dma_start3A_194 = tpu.memref_slice %arg10[%dma_start3A_192, %dma_start3A_193] : memref<512x72xf32, #tpu.memory_space<vmem>> -> memref<128x72xf32, #tpu.memory_space<vmem>>
    tpu.enqueue_dma source(%dma_start3A_194 : memref<128x72xf32, #tpu.memory_space<vmem>>) target(%dma_start3A_191 : memref<128x72xf32, #tpu.memory_space<hbm>>) target_semaphore(%arg12 : memref<!tpu.dma_semaphore, #tpu.memory_space<semaphore_mem>>)
    %dma_wait3A_195 = arith.constant 0 : i32
    %dma_wait3A_196 = arith.constant 0 : i32
    %dma_wait3A_197 = tpu.memref_slice %arg10[%dma_wait3A_195, %dma_wait3A_196] : memref<512x72xf32, #tpu.memory_space<vmem>> -> memref<128x72xf32, #tpu.memory_space<vmem>>
    %dma_wait3A_198 = arith.constant 0 : i32
    %dma_wait3A_199 = tpu.memref_slice %arg5[%add3A_100, %dma_wait3A_198] : memref<16384x128xf32, #tpu.memory_space<hbm>> -> memref<128x72xf32, #tpu.memory_space<hbm>>
    %dma_wait3A_200 = arith.constant 0 : i32
    %dma_wait3A_201 = tpu.memref_slice %arg5[%add3A_100, %dma_wait3A_200] : memref<16384x128xf32, #tpu.memory_space<hbm>> -> memref<128x72xf32, #tpu.memory_space<hbm>>
    %dma_wait3A_202 = arith.constant 0 : i32
    %dma_wait3A_203 = arith.constant 0 : i32
    %dma_wait3A_204 = tpu.memref_slice %arg10[%dma_wait3A_202, %dma_wait3A_203] : memref<512x72xf32, #tpu.memory_space<vmem>> -> memref<128x72xf32, #tpu.memory_space<vmem>>
    tpu.wait_dma2 semaphore(%arg12 : memref<!tpu.dma_semaphore, #tpu.memory_space<semaphore_mem>>) src(%dma_wait3A_204 : memref<128x72xf32, #tpu.memory_space<vmem>>) dst(%dma_wait3A_201 : memref<128x72xf32, #tpu.memory_space<hbm>>)
    %dma_wait3A_205 = arith.constant 128 : i32
    %dma_wait3A_206 = arith.constant 0 : i32
    %dma_wait3A_207 = tpu.memref_slice %arg10[%dma_wait3A_205, %dma_wait3A_206] : memref<512x72xf32, #tpu.memory_space<vmem>> -> memref<128x72xf32, #tpu.memory_space<vmem>>
    %dma_wait3A_208 = arith.constant 0 : i32
    %dma_wait3A_209 = tpu.memref_slice %arg5[%add3A_128, %dma_wait3A_208] : memref<16384x128xf32, #tpu.memory_space<hbm>> -> memref<128x72xf32, #tpu.memory_space<hbm>>
    %dma_wait3A_210 = arith.constant 0 : i32
    %dma_wait3A_211 = tpu.memref_slice %arg5[%add3A_128, %dma_wait3A_210] : memref<16384x128xf32, #tpu.memory_space<hbm>> -> memref<128x72xf32, #tpu.memory_space<hbm>>
    %dma_wait3A_212 = arith.constant 128 : i32
    %dma_wait3A_213 = arith.constant 0 : i32
    %dma_wait3A_214 = tpu.memref_slice %arg10[%dma_wait3A_212, %dma_wait3A_213] : memref<512x72xf32, #tpu.memory_space<vmem>> -> memref<128x72xf32, #tpu.memory_space<vmem>>
    tpu.wait_dma2 semaphore(%arg12 : memref<!tpu.dma_semaphore, #tpu.memory_space<semaphore_mem>>) src(%dma_wait3A_214 : memref<128x72xf32, #tpu.memory_space<vmem>>) dst(%dma_wait3A_211 : memref<128x72xf32, #tpu.memory_space<hbm>>)
    %dma_wait3A_215 = arith.constant 256 : i32
    %dma_wait3A_216 = arith.constant 0 : i32
    %dma_wait3A_217 = tpu.memref_slice %arg10[%dma_wait3A_215, %dma_wait3A_216] : memref<512x72xf32, #tpu.memory_space<vmem>> -> memref<128x72xf32, #tpu.memory_space<vmem>>
    %dma_wait3A_218 = arith.constant 0 : i32
    %dma_wait3A_219 = tpu.memref_slice %arg5[%add3A_156, %dma_wait3A_218] : memref<16384x128xf32, #tpu.memory_space<hbm>> -> memref<128x72xf32, #tpu.memory_space<hbm>>
    %dma_wait3A_220 = arith.constant 0 : i32
    %dma_wait3A_221 = tpu.memref_slice %arg5[%add3A_156, %dma_wait3A_220] : memref<16384x128xf32, #tpu.memory_space<hbm>> -> memref<128x72xf32, #tpu.memory_space<hbm>>
    %dma_wait3A_222 = arith.constant 256 : i32
    %dma_wait3A_223 = arith.constant 0 : i32
    %dma_wait3A_224 = tpu.memref_slice %arg10[%dma_wait3A_222, %dma_wait3A_223] : memref<512x72xf32, #tpu.memory_space<vmem>> -> memref<128x72xf32, #tpu.memory_space<vmem>>
    tpu.wait_dma2 semaphore(%arg12 : memref<!tpu.dma_semaphore, #tpu.memory_space<semaphore_mem>>) src(%dma_wait3A_224 : memref<128x72xf32, #tpu.memory_space<vmem>>) dst(%dma_wait3A_221 : memref<128x72xf32, #tpu.memory_space<hbm>>)
    %dma_wait3A_225 = arith.constant 384 : i32
    %dma_wait3A_226 = arith.constant 0 : i32
    %dma_wait3A_227 = tpu.memref_slice %arg10[%dma_wait3A_225, %dma_wait3A_226] : memref<512x72xf32, #tpu.memory_space<vmem>> -> memref<128x72xf32, #tpu.memory_space<vmem>>
    %dma_wait3A_228 = arith.constant 0 : i32
    %dma_wait3A_229 = tpu.memref_slice %arg5[%add3A_184, %dma_wait3A_228] : memref<16384x128xf32, #tpu.memory_space<hbm>> -> memref<128x72xf32, #tpu.memory_space<hbm>>
    %dma_wait3A_230 = arith.constant 0 : i32
    %dma_wait3A_231 = tpu.memref_slice %arg5[%add3A_184, %dma_wait3A_230] : memref<16384x128xf32, #tpu.memory_space<hbm>> -> memref<128x72xf32, #tpu.memory_space<hbm>>
    %dma_wait3A_232 = arith.constant 384 : i32
    %dma_wait3A_233 = arith.constant 0 : i32
    %dma_wait3A_234 = tpu.memref_slice %arg10[%dma_wait3A_232, %dma_wait3A_233] : memref<512x72xf32, #tpu.memory_space<vmem>> -> memref<128x72xf32, #tpu.memory_space<vmem>>
    tpu.wait_dma2 semaphore(%arg12 : memref<!tpu.dma_semaphore, #tpu.memory_space<semaphore_mem>>) src(%dma_wait3A_234 : memref<128x72xf32, #tpu.memory_space<vmem>>) dst(%dma_wait3A_231 : memref<128x72xf32, #tpu.memory_space<hbm>>)
    return
  }
}

module attributes {stable_mosaic.version = 14 : i64} {
  func.func @_fin_body(%arg0: i32, %arg1: memref<8192x128xf32, #tpu.memory_space<vmem>>, %arg2: memref<28x64xf32, #tpu.memory_space<vmem>>, %arg3: memref<32x64xf32, #tpu.memory_space<vmem>>, %arg4: memref<32x1xf32, #tpu.memory_space<vmem>>, %arg5: memref<32x8192xf32, #tpu.memory_space<vmem>>) attributes {dimension_semantics = [#tpu.dimension_semantics<arbitrary>], iteration_bounds = array<i64: 2>, scalar_prefetch = 0 : i64, scratch_operands = 0 : i64, tpu.core_type = #tpu.core_type<tc>, window_params = [{transform_indices = @transform_0, window_bounds = array<i64: 8192, 128>}, {pipeline_mode = #tpu.pipeline_mode<synchronous>, transform_indices = @transform_1, window_bounds = array<i64: 28, 64>}, {pipeline_mode = #tpu.pipeline_mode<synchronous>, transform_indices = @transform_2, window_bounds = array<i64: 32, 64>}, {pipeline_mode = #tpu.pipeline_mode<synchronous>, transform_indices = @transform_3, window_bounds = array<i64: 32, 1>}, {transform_indices = @transform_4, window_bounds = array<i64: 32, 8192>}]} {
    %iota3A = tpu.iota {dimensions = array<i32: 0>} : vector<64x64xi32>
    %iota3A_0 = tpu.iota {dimensions = array<i32: 1>} : vector<64x64xi32>
    %eq3A = arith.cmpi eq, %iota3A, %iota3A_0 : vector<64x64xi32>
    %convert_element_type3A = arith.extui %eq3A : vector<64x64xi1> to vector<64x64xi32>
    %convert_element_type3A_1 = arith.sitofp %convert_element_type3A : vector<64x64xi32> to vector<64x64xf32>
    %get3A = arith.constant 0 : index
    %get3A_2 = arith.constant 0 : index
    %get3A_3 = vector.load %arg2[%get3A, %get3A_2] : memref<28x64xf32, #tpu.memory_space<vmem>>, vector<2x64xf32>
    %concatenate3A = tpu.concatenate %convert_element_type3A_1, %get3A_3 in 0 : vector<64x64xf32>, vector<2x64xf32> -> vector<66x64xf32>
    %get3A_4 = arith.constant 0 : index
    %get3A_5 = arith.constant 0 : index
    %get3A_6 = vector.load %arg1[%get3A_4, %get3A_5] : memref<8192x128xf32, #tpu.memory_space<vmem>>, vector<8192x66xf32>
    %dot_general3A = arith.constant dense<0.000000e+00> : vector<8192x64xf32>
    %dot_general3A_7 = tpu.matmul %get3A_6, %concatenate3A, %dot_general3A {dimension_numbers = #tpu.dot_dimension_numbers<[1], [0], [0], [1], [0, 0, 1, 1], [], []>, transpose_lhs_hint = false} : vector<8192x66xf32>, vector<66x64xf32>, vector<8192x64xf32> -> vector<8192x64xf32>
    %max3A = arith.constant 0.000000e+00 : f32
    %max3A_8 = vector.broadcast %max3A : f32 to vector<8192x64xf32>
    %max3A_9 = arith.maximumf %dot_general3A_7, %max3A_8 : vector<8192x64xf32>
    %get3A_10 = arith.constant 0 : index
    %get3A_11 = arith.constant 0 : index
    %get3A_12 = vector.load %arg3[%get3A_10, %get3A_11] : memref<32x64xf32, #tpu.memory_space<vmem>>, vector<32x64xf32>
    %dot_general3A_13 = arith.constant dense<0.000000e+00> : vector<32x8192xf32>
    %dot_general3A_14 = tpu.matmul %get3A_12, %max3A_9, %dot_general3A_13 {dimension_numbers = #tpu.dot_dimension_numbers<[1], [1], [0], [0], [0, 0, 1, 0], [], []>, transpose_lhs_hint = false} : vector<32x64xf32>, vector<8192x64xf32>, vector<32x8192xf32> -> vector<32x8192xf32>
    %get3A_15 = arith.constant 0 : index
    %get3A_16 = arith.constant 0 : index
    %get3A_17 = vector.load %arg4[%get3A_15, %get3A_16] : memref<32x1xf32, #tpu.memory_space<vmem>>, vector<32x1xf32>
    %add3A = vector.broadcast %get3A_17 : vector<32x1xf32> to vector<32x8192xf32>
    %add3A_18 = arith.addf %dot_general3A_14, %add3A : vector<32x8192xf32>
    %swap3A = arith.constant 0 : index
    %swap3A_19 = arith.constant 0 : index
    %swap3A_20 = vector.load %arg5[%swap3A, %swap3A_19] : memref<32x8192xf32, #tpu.memory_space<vmem>>, vector<32x8192xf32>
    tpu.vector_store %arg5[%swap3A, %swap3A_19], %add3A_18 {strides = array<i32>} : memref<32x8192xf32, #tpu.memory_space<vmem>>, vector<32x8192xf32>,
    return
  }
  func.func @transform_0(%arg0: i32) -> (i32, i32) {
    %c0_i32 = arith.constant 0 : i32
    %c0_i32_0 = arith.constant 0 : i32
    return %arg0, %c0_i32 : i32, i32
  }
  func.func @transform_1(%arg0: i32) -> (i32, i32) {
    %c0_i32 = arith.constant 0 : i32
    %c0_i32_0 = arith.constant 0 : i32
    %c0_i32_1 = arith.constant 0 : i32
    return %c0_i32, %c0_i32_0 : i32, i32
  }
  func.func @transform_2(%arg0: i32) -> (i32, i32) {
    %c0_i32 = arith.constant 0 : i32
    %c0_i32_0 = arith.constant 0 : i32
    %c0_i32_1 = arith.constant 0 : i32
    return %c0_i32, %c0_i32_0 : i32, i32
  }
  func.func @transform_3(%arg0: i32) -> (i32, i32) {
    %c0_i32 = arith.constant 0 : i32
    %c0_i32_0 = arith.constant 0 : i32
    %c0_i32_1 = arith.constant 0 : i32
    return %c0_i32, %c0_i32_0 : i32, i32
  }
  func.func @transform_4(%arg0: i32) -> (i32, i32) {
    %c0_i32 = arith.constant 0 : i32
    %c0_i32_0 = arith.constant 0 : i32
    return %c0_i32, %arg0 : i32, i32
  }
}

module attributes {stable_mosaic.version = 14 : i64} {
  func.func @_prep_body(%arg0: i32, %arg1: memref<8x25xf32, #tpu.memory_space<vmem>>, %arg2: memref<2x2xf32, #tpu.memory_space<vmem>>, %arg3: memref<8x8xf32, #tpu.memory_space<vmem>>, %arg4: memref<8x16xf32, #tpu.memory_space<vmem>>, %arg5: memref<28x64xf32, #tpu.memory_space<vmem>>, %arg6: memref<1x64xf32, #tpu.memory_space<vmem>>, %arg7: memref<128x128xi32, #tpu.memory_space<vmem>>, %arg8: memref<128x128xi32, #tpu.memory_space<vmem>>, %arg9: memref<128x128xi32, #tpu.memory_space<vmem>>, %arg10: memref<128x128xi32, #tpu.memory_space<vmem>>, %arg11: memref<6400x128xf32, #tpu.memory_space<vmem>>, %arg12: memref<128x128xi32, #tpu.memory_space<vmem>>) attributes {dimension_semantics = [#tpu.dimension_semantics<arbitrary>], iteration_bounds = array<i64: 1>, scalar_prefetch = 0 : i64, scratch_operands = 0 : i64, tpu.core_type = #tpu.core_type<tc>, window_params = [{pipeline_mode = #tpu.pipeline_mode<synchronous>, transform_indices = @transform_0, window_bounds = array<i64: 8, 25>}, {pipeline_mode = #tpu.pipeline_mode<synchronous>, transform_indices = @transform_1, window_bounds = array<i64: 2, 2>}, {pipeline_mode = #tpu.pipeline_mode<synchronous>, transform_indices = @transform_2, window_bounds = array<i64: 8, 8>}, {pipeline_mode = #tpu.pipeline_mode<synchronous>, transform_indices = @transform_3, window_bounds = array<i64: 8, 16>}, {pipeline_mode = #tpu.pipeline_mode<synchronous>, transform_indices = @transform_4, window_bounds = array<i64: 28, 64>}, {pipeline_mode = #tpu.pipeline_mode<synchronous>, transform_indices = @transform_5, window_bounds = array<i64: 1, 64>}, {transform_indices = @transform_6, window_bounds = array<i64: 128, 128>}, {transform_indices = @transform_7, window_bounds = array<i64: 128, 128>}, {transform_indices = @transform_8, window_bounds = array<i64: 128, 128>}, {transform_indices = @transform_9, window_bounds = array<i64: 128, 128>}, {transform_indices = @transform_10, window_bounds = array<i64: 6400, 128>}, {transform_indices = @transform_11, window_bounds = array<i64: 128, 128>}]} {
    %get3A = arith.constant 0 : index
    %get3A_0 = arith.constant 0 : index
    %get3A_1 = vector.load %arg5[%get3A, %get3A_0] : memref<28x64xf32, #tpu.memory_space<vmem>>, vector<28x64xf32>
    %get3A_2 = arith.constant 0 : index
    %get3A_3 = arith.constant 0 : index
    %get3A_4 = vector.load %arg1[%get3A_2, %get3A_3] : memref<8x25xf32, #tpu.memory_space<vmem>>, vector<8x25xf32>
    %transpose3A = tpu.transpose %get3A_4, [1, 0] : vector<8x25xf32> -> vector<25x8xf32>
    %get3A_5 = arith.constant 0 : index
    %get3A_6 = arith.constant 0 : index
    %get3A_7 = vector.load %arg4[%get3A_5, %get3A_6] : memref<8x16xf32, #tpu.memory_space<vmem>>, vector<8x16xf32>
    %transpose3A_8 = tpu.transpose %get3A_7, [1, 0] : vector<8x16xf32> -> vector<16x8xf32>
    %slice3A = vector.extract_strided_slice %get3A_1 {offsets = [2, 0], sizes = [8, 64], strides = [1, 1]} : vector<28x64xf32> to vector<8x64xf32>
    %dot_general3A = arith.constant dense<0.000000e+00> : vector<25x64xf32>
    %dot_general3A_9 = tpu.matmul %transpose3A, %slice3A, %dot_general3A {dimension_numbers = #tpu.dot_dimension_numbers<[1], [0], [0], [1], [0, 0, 1, 1], [], []>, transpose_lhs_hint = false} : vector<25x8xf32>, vector<8x64xf32>, vector<25x64xf32> -> vector<25x64xf32>
    %get3A_10 = arith.constant 0 : index
    %get3A_11 = arith.constant 0 : index
    %get3A_12 = vector.load %arg2[%get3A_10, %get3A_11] : memref<2x2xf32, #tpu.memory_space<vmem>>, vector<2x2xf32>
    %slice3A_13 = vector.extract_strided_slice %get3A_1 {offsets = [10, 0], sizes = [2, 64], strides = [1, 1]} : vector<28x64xf32> to vector<2x64xf32>
    %dot_general3A_14 = arith.constant dense<0.000000e+00> : vector<2x64xf32>
    %dot_general3A_15 = tpu.matmul %get3A_12, %slice3A_13, %dot_general3A_14 {dimension_numbers = #tpu.dot_dimension_numbers<[1], [0], [0], [1], [0, 0, 1, 1], [], []>, transpose_lhs_hint = false} : vector<2x2xf32>, vector<2x64xf32>, vector<2x64xf32> -> vector<2x64xf32>
    %get3A_16 = arith.constant 0 : index
    %get3A_17 = arith.constant 0 : index
    %get3A_18 = vector.load %arg3[%get3A_16, %get3A_17] : memref<8x8xf32, #tpu.memory_space<vmem>>, vector<8x8xf32>
    %slice3A_19 = vector.extract_strided_slice %get3A_1 {offsets = [12, 0], sizes = [8, 64], strides = [1, 1]} : vector<28x64xf32> to vector<8x64xf32>
    %dot_general3A_20 = arith.constant dense<0.000000e+00> : vector<8x64xf32>
    %dot_general3A_21 = tpu.matmul %get3A_18, %slice3A_19, %dot_general3A_20 {dimension_numbers = #tpu.dot_dimension_numbers<[1], [0], [0], [1], [0, 0, 1, 1], [], []>, transpose_lhs_hint = false} : vector<8x8xf32>, vector<8x64xf32>, vector<8x64xf32> -> vector<8x64xf32>
    %slice3A_22 = vector.extract_strided_slice %get3A_1 {offsets = [20, 0], sizes = [8, 64], strides = [1, 1]} : vector<28x64xf32> to vector<8x64xf32>
    %dot_general3A_23 = arith.constant dense<0.000000e+00> : vector<16x64xf32>
    %dot_general3A_24 = tpu.matmul %transpose3A_8, %slice3A_22, %dot_general3A_23 {dimension_numbers = #tpu.dot_dimension_numbers<[1], [0], [0], [1], [0, 0, 1, 1], [], []>, transpose_lhs_hint = false} : vector<16x8xf32>, vector<8x64xf32>, vector<16x64xf32> -> vector<16x64xf32>
    %iota3A = tpu.iota {dimensions = array<i32: 0>} : vector<6400x1xi32>
    %mul3A = arith.constant 6400 : i32
    %mul3A_25 = arith.muli %arg0, %mul3A : i32
    %add3A = vector.broadcast %mul3A_25 : i32 to vector<6400x1xi32>
    %add3A_26 = arith.addi %iota3A, %add3A : vector<6400x1xi32>
    %shift_right_arithmetic3A = arith.constant 8 : i32
    %shift_right_arithmetic3A_27 = vector.broadcast %shift_right_arithmetic3A : i32 to vector<6400x1xi32>
    %shift_right_arithmetic3A_28 = arith.shrsi %add3A_26, %shift_right_arithmetic3A_27 : vector<6400x1xi32>
    %shift_right_arithmetic3A_29 = arith.constant 7 : i32
    %shift_right_arithmetic3A_30 = vector.broadcast %shift_right_arithmetic3A_29 : i32 to vector<6400x1xi32>
    %shift_right_arithmetic3A_31 = arith.shrsi %add3A_26, %shift_right_arithmetic3A_30 : vector<6400x1xi32>
    %and3A = arith.constant 1 : i32
    %and3A_32 = vector.broadcast %and3A : i32 to vector<6400x1xi32>
    %and3A_33 = arith.andi %shift_right_arithmetic3A_31, %and3A_32 : vector<6400x1xi32>
    %shift_right_arithmetic3A_34 = arith.constant 4 : i32
    %shift_right_arithmetic3A_35 = vector.broadcast %shift_right_arithmetic3A_34 : i32 to vector<6400x1xi32>
    %shift_right_arithmetic3A_36 = arith.shrsi %add3A_26, %shift_right_arithmetic3A_35 : vector<6400x1xi32>
    %and3A_37 = arith.constant 7 : i32
    %and3A_38 = vector.broadcast %and3A_37 : i32 to vector<6400x1xi32>
    %and3A_39 = arith.andi %shift_right_arithmetic3A_36, %and3A_38 : vector<6400x1xi32>
    %and3A_40 = arith.constant 15 : i32
    %and3A_41 = vector.broadcast %and3A_40 : i32 to vector<6400x1xi32>
    %and3A_42 = arith.andi %add3A_26, %and3A_41 : vector<6400x1xi32>
    %iota3A_43 = tpu.iota {dimensions = array<i32: 1>} : vector<1x25xi32>
    %eq3A = vector.broadcast %shift_right_arithmetic3A_28 : vector<6400x1xi32> to vector<6400x25xi32>
    %eq3A_44 = vector.broadcast %iota3A_43 : vector<1x25xi32> to vector<6400x25xi32>
    %eq3A_45 = arith.cmpi eq, %eq3A, %eq3A_44 : vector<6400x25xi32>
    %convert_element_type3A = arith.extui %eq3A_45 : vector<6400x25xi1> to vector<6400x25xi32>
    %convert_element_type3A_46 = arith.sitofp %convert_element_type3A : vector<6400x25xi32> to vector<6400x25xf32>
    %dot_general3A_47 = arith.constant dense<0.000000e+00> : vector<6400x64xf32>
    %dot_general3A_48 = tpu.matmul %convert_element_type3A_46, %dot_general3A_9, %dot_general3A_47 {dimension_numbers = #tpu.dot_dimension_numbers<[1], [0], [0], [1], [0, 0, 1, 1], [], []>, transpose_lhs_hint = false} : vector<6400x25xf32>, vector<25x64xf32>, vector<6400x64xf32> -> vector<6400x64xf32>
    %iota3A_49 = tpu.iota {dimensions = array<i32: 1>} : vector<1x2xi32>
    %eq3A_50 = vector.broadcast %and3A_33 : vector<6400x1xi32> to vector<6400x2xi32>
    %eq3A_51 = vector.broadcast %iota3A_49 : vector<1x2xi32> to vector<6400x2xi32>
    %eq3A_52 = arith.cmpi eq, %eq3A_50, %eq3A_51 : vector<6400x2xi32>
    %convert_element_type3A_53 = arith.extui %eq3A_52 : vector<6400x2xi1> to vector<6400x2xi32>
    %convert_element_type3A_54 = arith.sitofp %convert_element_type3A_53 : vector<6400x2xi32> to vector<6400x2xf32>
    %dot_general3A_55 = arith.constant dense<0.000000e+00> : vector<6400x64xf32>
    %dot_general3A_56 = tpu.matmul %convert_element_type3A_54, %dot_general3A_15, %dot_general3A_55 {dimension_numbers = #tpu.dot_dimension_numbers<[1], [0], [0], [1], [0, 0, 1, 1], [], []>, transpose_lhs_hint = false} : vector<6400x2xf32>, vector<2x64xf32>, vector<6400x64xf32> -> vector<6400x64xf32>
    %add3A_57 = arith.addf %dot_general3A_48, %dot_general3A_56 : vector<6400x64xf32>
    %iota3A_58 = tpu.iota {dimensions = array<i32: 1>} : vector<1x8xi32>
    %eq3A_59 = vector.broadcast %and3A_39 : vector<6400x1xi32> to vector<6400x8xi32>
    %eq3A_60 = vector.broadcast %iota3A_58 : vector<1x8xi32> to vector<6400x8xi32>
    %eq3A_61 = arith.cmpi eq, %eq3A_59, %eq3A_60 : vector<6400x8xi32>
    %convert_element_type3A_62 = arith.extui %eq3A_61 : vector<6400x8xi1> to vector<6400x8xi32>
    %convert_element_type3A_63 = arith.sitofp %convert_element_type3A_62 : vector<6400x8xi32> to vector<6400x8xf32>
    %dot_general3A_64 = arith.constant dense<0.000000e+00> : vector<6400x64xf32>
    %dot_general3A_65 = tpu.matmul %convert_element_type3A_63, %dot_general3A_21, %dot_general3A_64 {dimension_numbers = #tpu.dot_dimension_numbers<[1], [0], [0], [1], [0, 0, 1, 1], [], []>, transpose_lhs_hint = false} : vector<6400x8xf32>, vector<8x64xf32>, vector<6400x64xf32> -> vector<6400x64xf32>
    %add3A_66 = arith.addf %add3A_57, %dot_general3A_65 : vector<6400x64xf32>
    %iota3A_67 = tpu.iota {dimensions = array<i32: 1>} : vector<1x16xi32>
    %eq3A_68 = vector.broadcast %and3A_42 : vector<6400x1xi32> to vector<6400x16xi32>
    %eq3A_69 = vector.broadcast %iota3A_67 : vector<1x16xi32> to vector<6400x16xi32>
    %eq3A_70 = arith.cmpi eq, %eq3A_68, %eq3A_69 : vector<6400x16xi32>
    %convert_element_type3A_71 = arith.extui %eq3A_70 : vector<6400x16xi1> to vector<6400x16xi32>
    %convert_element_type3A_72 = arith.sitofp %convert_element_type3A_71 : vector<6400x16xi32> to vector<6400x16xf32>
    %dot_general3A_73 = arith.constant dense<0.000000e+00> : vector<6400x64xf32>
    %dot_general3A_74 = tpu.matmul %convert_element_type3A_72, %dot_general3A_24, %dot_general3A_73 {dimension_numbers = #tpu.dot_dimension_numbers<[1], [0], [0], [1], [0, 0, 1, 1], [], []>, transpose_lhs_hint = false} : vector<6400x16xf32>, vector<16x64xf32>, vector<6400x64xf32> -> vector<6400x64xf32>
    %add3A_75 = arith.addf %add3A_66, %dot_general3A_74 : vector<6400x64xf32>
    %get3A_76 = arith.constant 0 : index
    %get3A_77 = arith.constant 0 : index
    %get3A_78 = vector.load %arg6[%get3A_76, %get3A_77] : memref<1x64xf32, #tpu.memory_space<vmem>>, vector<1x64xf32>
    %add3A_79 = vector.broadcast %get3A_78 : vector<1x64xf32> to vector<6400x64xf32>
    %add3A_80 = arith.addf %add3A_75, %add3A_79 : vector<6400x64xf32>
    %swap3A = arith.constant 0 : index
    %swap3A_81 = arith.constant 0 : index
    %swap3A_82 = vector.load %arg11[%swap3A, %swap3A_81] : memref<6400x128xf32, #tpu.memory_space<vmem>>, vector<6400x64xf32>
    tpu.vector_store %arg11[%swap3A, %swap3A_81], %add3A_80 {strides = array<i32>} : memref<6400x128xf32, #tpu.memory_space<vmem>>, vector<6400x64xf32>,
    %get3A_83 = arith.constant 0 : index
    %get3A_84 = arith.constant 0 : index
    %get3A_85 = vector.load %arg7[%get3A_83, %get3A_84] : memref<128x128xi32, #tpu.memory_space<vmem>>, vector<128x128xi32>
    %mul3A_86 = arith.constant 2 : i32
    %mul3A_87 = vector.broadcast %mul3A_86 : i32 to vector<128x128xi32>
    %mul3A_88 = arith.muli %get3A_85, %mul3A_87 : vector<128x128xi32>
    %get3A_89 = arith.constant 0 : index
    %get3A_90 = arith.constant 0 : index
    %get3A_91 = vector.load %arg8[%get3A_89, %get3A_90] : memref<128x128xi32, #tpu.memory_space<vmem>>, vector<128x128xi32>
    %add3A_92 = arith.addi %mul3A_88, %get3A_91 : vector<128x128xi32>
    %mul3A_93 = arith.constant 8 : i32
    %mul3A_94 = vector.broadcast %mul3A_93 : i32 to vector<128x128xi32>
    %mul3A_95 = arith.muli %add3A_92, %mul3A_94 : vector<128x128xi32>
    %get3A_96 = arith.constant 0 : index
    %get3A_97 = arith.constant 0 : index
    %get3A_98 = vector.load %arg9[%get3A_96, %get3A_97] : memref<128x128xi32, #tpu.memory_space<vmem>>, vector<128x128xi32>
    %add3A_99 = arith.addi %mul3A_95, %get3A_98 : vector<128x128xi32>
    %mul3A_100 = arith.constant 16 : i32
    %mul3A_101 = vector.broadcast %mul3A_100 : i32 to vector<128x128xi32>
    %mul3A_102 = arith.muli %add3A_99, %mul3A_101 : vector<128x128xi32>
    %get3A_103 = arith.constant 0 : index
    %get3A_104 = arith.constant 0 : index
    %get3A_105 = vector.load %arg10[%get3A_103, %get3A_104] : memref<128x128xi32, #tpu.memory_space<vmem>>, vector<128x128xi32>
    %add3A_106 = arith.addi %mul3A_102, %get3A_105 : vector<128x128xi32>
    %swap3A_107 = arith.constant 0 : index
    %swap3A_108 = arith.constant 0 : index
    %swap3A_109 = vector.load %arg12[%swap3A_107, %swap3A_108] : memref<128x128xi32, #tpu.memory_space<vmem>>, vector<128x128xi32>
    tpu.vector_store %arg12[%swap3A_107, %swap3A_108], %add3A_106 {strides = array<i32>} : memref<128x128xi32, #tpu.memory_space<vmem>>, vector<128x128xi32>,
    return
  }
  func.func @transform_0(%arg0: i32) -> (i32, i32) {
    %c0_i32 = arith.constant 0 : i32
    %c0_i32_0 = arith.constant 0 : i32
    %c0_i32_1 = arith.constant 0 : i32
    return %c0_i32, %c0_i32_0 : i32, i32
  }
  func.func @transform_1(%arg0: i32) -> (i32, i32) {
    %c0_i32 = arith.constant 0 : i32
    %c0_i32_0 = arith.constant 0 : i32
    %c0_i32_1 = arith.constant 0 : i32
    return %c0_i32, %c0_i32_0 : i32, i32
  }
  func.func @transform_2(%arg0: i32) -> (i32, i32) {
    %c0_i32 = arith.constant 0 : i32
    %c0_i32_0 = arith.constant 0 : i32
    %c0_i32_1 = arith.constant 0 : i32
    return %c0_i32, %c0_i32_0 : i32, i32
  }
  func.func @transform_3(%arg0: i32) -> (i32, i32) {
    %c0_i32 = arith.constant 0 : i32
    %c0_i32_0 = arith.constant 0 : i32
    %c0_i32_1 = arith.constant 0 : i32
    return %c0_i32, %c0_i32_0 : i32, i32
  }
  func.func @transform_4(%arg0: i32) -> (i32, i32) {
    %c0_i32 = arith.constant 0 : i32
    %c0_i32_0 = arith.constant 0 : i32
    %c0_i32_1 = arith.constant 0 : i32
    return %c0_i32, %c0_i32_0 : i32, i32
  }
  func.func @transform_5(%arg0: i32) -> (i32, i32) {
    %c0_i32 = arith.constant 0 : i32
    %c0_i32_0 = arith.constant 0 : i32
    %c0_i32_1 = arith.constant 0 : i32
    return %c0_i32, %c0_i32_0 : i32, i32
  }
  func.func @transform_6(%arg0: i32) -> (i32, i32) {
    %c0_i32 = arith.constant 0 : i32
    %c0_i32_0 = arith.constant 0 : i32
    return %arg0, %c0_i32 : i32, i32
  }
  func.func @transform_7(%arg0: i32) -> (i32, i32) {
    %c0_i32 = arith.constant 0 : i32
    %c0_i32_0 = arith.constant 0 : i32
    return %arg0, %c0_i32 : i32, i32
  }
  func.func @transform_8(%arg0: i32) -> (i32, i32) {
    %c0_i32 = arith.constant 0 : i32
    %c0_i32_0 = arith.constant 0 : i32
    return %arg0, %c0_i32 : i32, i32
  }
  func.func @transform_9(%arg0: i32) -> (i32, i32) {
    %c0_i32 = arith.constant 0 : i32
    %c0_i32_0 = arith.constant 0 : i32
    return %arg0, %c0_i32 : i32, i32
  }
  func.func @transform_10(%arg0: i32) -> (i32, i32) {
    %c0_i32 = arith.constant 0 : i32
    %c0_i32_0 = arith.constant 0 : i32
    return %arg0, %c0_i32 : i32, i32
  }
  func.func @transform_11(%arg0: i32) -> (i32, i32) {
    %c0_i32 = arith.constant 0 : i32
    %c0_i32_0 = arith.constant 0 : i32
    return %arg0, %c0_i32 : i32, i32
  }
}

</mosaic_0001>

<sc_bundles>
// kernel: _run.5.cloned.1.call-start
scs
__scs_entry_jumppad:
0x0: {  	(pc) =	sbr.rel $0x88, $3  }
0x1: {  	(tag) =	ssettag $0x0;
	lr =	simm.s32 $0x1  }
0x2: {  	[smem:$0x3F94] =	sst lr;
	_ =	strace $0xD0000000  }
0x3: {  	_ = 	snop  }
0x4: {  	_ = 	snop  }
0x5: {  	_ = 	snop  }
0x6: {  	_ = 	snop  }
0x7: {  	_ = 	snop  }
__scs_overlays_trampoline_lowered:
0x8: {  	[smem:$0x3FA3] =	sst s0  }
0x9: {  	[smem:$0x3FA4] =	sst s1  }
0xa: {  	[smem:$0x3FA5] =	sst s2  }
0xb: {  	[smem:$0x3FA6] =	sst s3  }
0xc: {  	[smem:$0x3FA7] =	sst s4  }
0xd: {  	[smem:$0x3FA8] =	sst s5  }
0xe: {  	[smem:$0x3FA9] =	sst s6  }
0xf: {  	[smem:$0x3FAA] =	sst s7  }
0x10: {  	[smem:$0x3FAB] =	sst s8  }
0x11: {  	[smem:$0x3FAC] =	sst s9;
	s0 =	simm.s32 @!p0 $0x0  }
0x12: {  	s1 =	sld [smem:$0x3F92];
	s0 =	simm.s32 @p0 $0x1  }
0x13: {  	[smem:$0x3FAD] =	sst s0;
	s0 =	simm.s32 @!p1 $0x0  }
0x14: {  	s2 =	sld [smem:$0x3F91];
	s0 =	simm.s32 @p1 $0x1  }
0x15: {  	[smem:$0x3FAE] =	sst s0;
	s0 =	simm.s32 @!p2 $0x0  }
0x16: {  	s3 =	sld [smem:$0x3FDB];
	s0 =	simm.s32 @p2 $0x1  }
0x17: {  	s4 =	simm.s32 $0x1BF5;
	[smem:$0x3FB0] =	sst s0  }
0x18: {  	s0 =	sld [smem:$0x3F93];
	_ =	swait.ge [sflag:s4], $0x0  }
0x19: {  	s7 =	sld [smem:$0x3F94]  }
0x1a: {  	s8 =	sadd.s32 $0xFFFFE003, lr  }
0x1b: {  	s9 =	sadd.s32 $0xFFFFFEF7, lr;
	s5 =	simm.s32 $0xFFFFFFFF;
	p2 =	slt.u32 s8, $0xFFFFF086  }
0x1c: {  	p1 =	slt.u32 s9, $0xF7A;
	s5 =	simm.s32 @!p2 $0x0  }
0x1d: {  	s5 =	simm.s32 @p1 $0x1;
	p0 =	seq.s32 s7, s2  }
0x1e: {  	s7 =	smul.u32 @!p0 $0xF7A, s2;
	p2 =	seq.s32 @!p0 s5, $0x0  }
0x1f: {  	s9 =	smul.u32 $0xF7A, s1;
	s8 =	simm.s32 @!p0 $0x1BF5;
	p2 =	por !p2, p0  }
0x20: {  	[sflag:s8] =	ssyncset.s32 @!p0 $0xFFFFF086;
	s6 =	sadd.s32 @!p0 s3, s7;
	s7 =	simm.s32 @!p0 $0x108  }
0x21: {  	s3 =	sadd.s32 s3, s9;
	s6 =	sadd.s32 @!p0 $0x88, s6;
	s7 =	simm.s32 @p2 $0x1082  }
0x22: {  	[simem:s7], [sflag:s8] =	dma.local @!p0 [hbm:s6], $0xF7A  }
0x23: {  	s9 =	sor.u32 $0xD0000000, s2;
	s6 =	simm.s32 $0x108;
	_ =	swait.ge @!p0 [sflag:s8], $0x0  }
0x24: {  	s3 =	sadd.s32 $0x88, s3;
	s6 =	simm.s32 @!p1 $0x1082;
	[sflag:s4] =	ssyncset.s32 $0xFFFFF086  }
0x25: {  	[simem:s6], [sflag:s4] =	dma.local [hbm:s3], $0xF7A  }
0x26: {  	[smem:$0x3F94] =	sst s1;
	(tag) =	ssettag s2;
	_ =	strace s9  }
0x27: {  	s1 =	sld [smem:$0x3FA4]  }
0x28: {  	s2 =	sld [smem:$0x3FA5]  }
0x29: {  	s4 =	sld [smem:$0x3FA7]  }
0x2a: {  	p0 =	seq.s32 s5, $0x0;
	s5 =	sld [smem:$0x3FA8]  }
0x2b: {  	s6 =	sld [smem:$0x3FA9]  }
0x2c: {  	s7 =	sld [smem:$0x3FAA]  }
0x2d: {  	s3 =	simm.s32 $0x108;
	s8 =	sld [smem:$0x3FAB]  }
0x2e: {  	s3 =	simm.s32 @!p0 $0x1082;
	s9 =	sld [smem:$0x3FAC]  }
0x2f: {  	lr =	sadd.s32 s0, s3;
	s0 =	sld [smem:$0x3FA3]  }
0x30: {  	s3 =	sld [smem:$0x3FA6]  }
0x31: {  	[smem:$0x3FAF] =	sst s10  }
0x32: {  	s10 =	sld [smem:$0x3FAD];
	_ =	sdelay $0x3  }
0x33: {  	p0 =	seq.s32 s10, $0x1;
	s10 =	sld [smem:$0x3FAF];
	_ =	sdelay $0x3  }
0x34: {  	[smem:$0x3FAF] =	sst s10  }
0x35: {  	s10 =	sld [smem:$0x3FAE];
	_ =	sdelay $0x3  }
0x36: {  	p1 =	seq.s32 s10, $0x1;
	s10 =	sld [smem:$0x3FAF];
	_ =	sdelay $0x3  }
0x37: {  	[smem:$0x3FAF] =	sst s10  }
0x38: {  	s10 =	sld [smem:$0x3FB0]  }
0x39: {  	_ = 	snop;
	(pc) =	sbr.ind lr, $3  }
0x3a: {  	_ = 	snop  }
0x3b: {  	_ = 	snop  }
0x3c: {  	p2 =	seq.s32 s10, $0x1;
	s10 =	sld [smem:$0x3FAF]  }
0x3d: {  	_ =	shalt  }
0x3e: {  	_ =	shalt  }
0x3f: {  	_ =	shalt  }
0x40: {  	_ =	shalt  }
0x41: {  	_ =	shalt  }
0x42: {  	_ =	shalt  }
0x43: {  	_ =	shalt  }
0x44: {  	_ =	shalt  }
0x45: {  	_ =	shalt  }
0x46: {  	_ =	shalt  }
0x47: {  	_ =	shalt  }
0x48: {  	_ =	shalt  }
0x49: {  	_ =	shalt  }
0x4a: {  	_ =	shalt  }
0x4b: {  	_ =	shalt  }
0x4c: {  	_ =	shalt  }
0x4d: {  	_ =	shalt  }
0x4e: {  	_ =	shalt  }
0x4f: {  	_ =	shalt  }
0x50: {  	_ =	shalt  }
0x51: {  	_ =	shalt  }
0x52: {  	_ =	shalt  }
0x53: {  	_ =	shalt  }
0x54: {  	_ =	shalt  }
0x55: {  	_ =	shalt  }
0x56: {  	_ =	shalt  }
0x57: {  	_ =	shalt  }
0x58: {  	_ =	shalt  }
0x59: {  	_ =	shalt  }
0x5a: {  	_ =	shalt  }
0x5b: {  	_ =	shalt  }
0x5c: {  	_ =	shalt  }
0x5d: {  	_ =	shalt  }
0x5e: {  	_ =	shalt  }
0x5f: {  	_ =	shalt  }
0x60: {  	_ =	shalt  }
0x61: {  	_ =	shalt  }
0x62: {  	_ =	shalt  }
0x63: {  	_ =	shalt  }
0x64: {  	_ =	shalt  }
0x65: {  	_ =	shalt  }
0x66: {  	_ =	shalt  }
0x67: {  	_ =	shalt  }
0x68: {  	_ =	shalt  }
0x69: {  	_ =	shalt  }
0x6a: {  	_ =	shalt  }
0x6b: {  	_ =	shalt  }
0x6c: {  	_ =	shalt  }
0x6d: {  	_ =	shalt  }
0x6e: {  	_ =	shalt  }
0x6f: {  	_ =	shalt  }
0x70: {  	_ =	shalt  }
0x71: {  	_ =	shalt  }
0x72: {  	_ =	shalt  }
0x73: {  	_ =	shalt  }
0x74: {  	_ =	shalt  }
0x75: {  	_ =	shalt  }
0x76: {  	_ =	shalt  }
0x77: {  	_ =	shalt  }
0x78: {  	_ =	shalt  }
0x79: {  	_ =	shalt  }
0x7a: {  	_ =	shalt  }
0x7b: {  	_ =	shalt  }
0x7c: {  	_ =	shalt  }
0x7d: {  	_ =	shalt  }
0x7e: {  	_ =	shalt  }
0x7f: {  	_ =	shalt  }
0x80: {  	_ =	shalt  }
0x81: {  	_ =	shalt  }
0x82: {  	_ =	shalt  }
0x83: {  	_ =	shalt  }
0x84: {  	_ =	shalt  }
0x85: {  	_ =	shalt  }
0x86: {  	_ =	shalt  }
0x87: {  	_ =	shalt  }
.Lfunc_end0:
.L_simem_size_0:
called_computation_lowered:
.L_overlay_start_0:
0x88: {  	s2 =	sld [smem:$0x3FD9]  }
0x89: {  	s3 =	sld [smem:$0x3FFE];
	_ =	sdelay $0x1  }
0x8a: {  	s1 =	srdreg.scid  }
0x8b: {  	s0 =	sand.u32 $0x1, s1  }
0x8c: {  	s17 =	sshll.u32 s0, $0xA;
	s2 =	sadd.s32 s3, s2  }
0x8d: {  	s2 =	sadd.s32 s2, s17  }
0x8e: {  	[smem:$0x3FBB] =	sst s2  }
0x8f: {  	_ = 	snop  }
0x90: {  	s2 =	sld [smem:$0x3FC9]  }
0x91: {  	s18 =	sld [smem:$0x3FD0];
	(tm) =	ssettm $0x1  }
0x92: {  	s4 =	sld [smem:$0x3FFB];
	_ =	sdelay $0x3  }
0x93: {  	_ =	strace s4  }
0x94: {  	s4 =	sld [smem:$0x3FFC];
	_ =	sdelay $0x3  }
0x95: {  	_ =	strace s4  }
0x96: {  	s4 =	sld [smem:$0x3FFD];
	_ =	sdelay $0x3  }
0x97: {  	_ =	strace s4  }
0x98: {  	_ =	strace $0x8FFFFFFF  }
0x99: {  	s19 =	sld [smem:$0x3FDB];
	_ =	sdelay $0x1  }
0x9a: {  	s5 =	simm.s32 $_scs_section_size  }
0x9b: {  	s6 =	simm.s32 $_size__tile_overlayer_lowered;
	s7 =	simm.s32 $_tile_overlayer_lowered  }
0x9c: {  	s22 =	simm.s32 $0x1BFF;
	s21 =	sshll.u32 s7, $0x1;
	s4 =	sadd.s32 s5, s19  }
0x9d: {  	s8 =	simm.s32 $0x0;
	s20 =	sshll.u32 s6, $0x1;
	s6 =	sadd.s32 s21, s4  }
0x9e: {  	[timem:s8], [sflag:s22] =	dma.local [hbm:s6], s20  }
0x9f: {  	_ =	swait.ge [sflag:s22], s20  }
0xa0: {  	s5 =	ssub.s32 $0x0, s20;
	[sflag:s22] =	ssyncset.done $0x0  }
0xa1: {  	[sflag:s22] =	ssyncadd.s32 s5;
	_ =	sdelay $0x1  }
0xa2: {  	s23 =	simm.s32 $0x1B8B  }
0xa3: {  	_ =	swait.ge [sflag:s23], $0x1  }
0xa4: {  	[sflag:s23] =	ssyncset.done $0x0  }
0xa5: {  	s25 =	simm.s32 $0x1B8E;
	s24 =	sld [smem:$0x3FFE];
	[sflag:s23] =	ssyncadd.s32 $0xFFFFFFFF  }
0xa6: {  	s26 =	simm.s32 $execute0_lowered;
	[smem:$0x3FD2] =	sst s25  }
0xa7: {  	s6 =	sshll.u32 s26, $0x1;
	_ =	strace $0x80000046;
	[dreg:$0x1] =	wrdreg $0xFFFFFFFF  }
0xa8: {  	s28 =	simm.s32 $_size_execute0_lowered;
	s4 =	sadd.s32 s4, s6;
	[dreg:$0x0] =	wrdreg $0x0  }
0xa9: {  	s6 =	sshll.u32 s28, $0x1;
	[dreg:$0x2] =	wrdreg s4  }
0xaa: {  	[dreg:$0x3] =	wrdreg s6  }
0xab: {  	[dreg:$0x4] =	wrdreg $0xC0  }
0xac: {  	_ =	task [dreg:s8], $0x5FFFF  }
0xad: {  	[dreg:$0x1] =	wrdreg $0xFFFFFFFF  }
0xae: {  	[dreg:$0x0] =	wrdreg $0x60  }
0xaf: {  	[dreg:$0x2] =	wrdreg s24  }
0xb0: {  	[dreg:$0x3] =	wrdreg s18  }
0xb1: {  	[dreg:$0x4] =	wrdreg s2  }
0xb2: {  	[dreg:$0x5] =	wrdreg $0x0  }
0xb3: {  	[dreg:$0x6] =	wrdreg $0x9  }
0xb4: {  	_ =	task.clear_ibuf [dreg:s8], $0x7FFFF;
	_ =	strace $0x90000046  }
0xb5: {  	s29 =	simm.s32 $0x9;
	_ =	strace $0x80000048  }
0xb6: {  	_ =	swait.ge [sflag:s29], $0x1  }
0xb7: {  	[sflag:s29] =	ssyncadd.s32 $0xFFFFFFFF  }
0xb8: {  	_ =	strace $0x90000048  }
0xb9: {  	_ =	sfence  }
0xba: {  	s30 =	sld [smem:$0x0];
	_ =	sdelay $0x2  }
0xbb: {  	s31 =	sshll.u32 s1, $0xD;
	s1 =	sshrl.u32 s1, $0x2  }
0xbc: {  	s3 =	sand.u32 $0x4000, s31;
	s1 =	sadd.s32 s1, s30  }
0xbd: {  	s0 =	sor.u32 s3, s0;
	s1 =	sshll.u32 s1, $0x11  }
0xbe: {  	s0 =	sor.u32 s1, s0  }
0xbf: {  	s0 =	sadd.s32 $0x8F2B, s0  }
0xc0: {  	[sflag:s0] =	ssyncadd.remote.s32 $0x1  }
0xc1: {  	_ =	sfence.sel $0xFFFF  }
0xc2: {  	[dreg:$0x0] =	wrdreg $0xFFFFFFFF;
	(pc) =	sbr.abs _section_cstart, $3  }
0xc3: {  	[dreg:$0x1] =	wrdreg $0xFFFFFFFF  }
0xc4: {  	_ =	task.clear_ibuf [dreg:s8], $0x2FFFF;
	_ =	strace $0x9FFFFFFF  }
0xc5: {  	(tm) =	ssettm $0x7FFFFFFF  }
tec
execute0_lowered:
.L_overlay_start_1:
0x0: {  	(tag) =	ssettag $0x1  }
0x1: {  	s4 =	rddreg [dreg:$0x0]  }
0x2: {  	s5 =	rddreg [dreg:$0x1]  }
0x3: {  	s6 =	rddreg [dreg:$0x2]  }
0x4: {  	s1 =	rddreg [dreg:$0x3]  }
0x5: {  	s0 =	rddreg [dreg:$0x4];
	s3 =	srdreg.scid  }
0x6: {  	s12 =	stileid.u32;
	s2 =	simm.s32 $0x0;
	s13 =	simm.s32 $0x7080  }
0x7: {  	s14 =	simm.s32 $0x80;
	s15 =	simm.s32 $0x100;
	s16 =	simm.s32 $0x1  }
0x8: {  	s17 =	simm.s32 $0x7680;
	s18 =	simm.s32 $0x7100;
	s19 =	simm.s32 $0x9A80  }
0x9: {  	s20 =	simm.s32 $0x7180;
	s21 =	simm.s32 $0xBE80;
	s22 =	simm.s32 $0x7200  }
0xa: {  	s23 =	simm.s32 $0xE280;
	s24 =	simm.s32 $0x48;
	s25 =	simm.s32 $0x2  }
0xb: {  	s26 =	simm.s32 $0x0;
	s7 =	sand.u32 $0x1, s3;
	s29 =	sshll.u32 s12, $0x1  }
0xc: {  	[smem:$0x7FF] =	sst s2;
	s3 =	sadd.s32 $0x2600, s4;
	p0 =	sne.s32 s12, $0x0  }
0xd: {  	s8 =	sor.u32 s7, s29;
	_ =	strace $0x80000047;
	s7 =	ssub.s32 $0x2, s7  }
0xe: {  	s12 =	sshrl.u32 @!p0 s1, $0x3;
	s9 =	sshll.u32 s8, $0xD;
	s30 =	sshll.u32 s8, $0x7  }
0xf: {  	v0 =	vlaneseq.u32;
	s31 =	sshrl.u32 s7, $0x1;
	s8 =	sshll.u32 s8, $0x6;
	s10 =	sadd.s32 s9, s4  }
0x10: {  	v1 =	vmul.u32 $0x48, v0;
	s4 =	sadd.s32 s6, s30;
	s11 =	ssub.s32 s7, s31;
	s5 =	sadd.s32 s5, s8  }
0x11: {  	s6 =	sadd.s32 $0x10, s4;
	s7 =	sadd.s32 $0x1B600, s10;
	s8 =	sadd.s32 $0x1BE00, s10  }
0x12: {  	v0 =	vadd.s32 $0x40, v1;
	v1 =	vadd.s32 $0x41, v1;
	s9 =	sadd.s32 $0x1C600, s10;
	s10 =	sadd.s32 $0x1CE00, s10;
	s11 =	smax.u32 s11, $0x1  }
.LBB2_1:
0x13: {  	s28 =	simm.s32 @!p0 $0x1  }
0x14: {  	s29 =	simm.s32 @!p0 $0x9;
	s30 =	simm.s32 @!p0 $0x10;
	s31 =	simm.s32 @!p0 $0x1C03  }
0x15: {  	[spmem:s12@s29], [sflag:s31] =	dma.strided @!p0 [hbm:s3@s30], $0xE100, s28, $0x9   }
0x16: {  	s28 =	simm.s32 @!p0 $0x3  }
0x17: {  	_ =	swait.ge @!p0 [sflag:s28], $0xE100  }
0x18: {  	[sflag:s28] =	ssyncset.done @!p0 $0x0  }
0x19: {  	[sflag:s28] =	ssyncadd.s32 @!p0 $0xFFFF1F00  }
0x1a: {  	[tilespmem:s13], [sflag:$0x1] =	stream.linear.gather [hbm4b:s5+s2], $0x200, $0x38;
	[tilespmem:$0x10680] =	vst v63  }
0x1b: {  	s29 =	simm.s32 $0x7280  }
0x1c: {  	[tilespmem:s29], [sflag:$0x1] =	stream.strided.gather [hbm4b:s4+s14], $0x200, s15, s14, $0x38;
	[tilespmem:$0x10680] =	vst v63  }
0x1d: {  	s28 =	simm.s32 $0x7480  }
0x1e: {  	[tilespmem:s28], [sflag:$0x1] =	stream.strided.gather [hbm4b:s6+s14], $0x200, s15, s14, $0x38;
	[tilespmem:$0x10680] =	vst v63  }
0x1f: {  	_ =	swait.ge [sflag:s16], $0x200  }
0x20: {  	[sflag:s16] =	ssyncset.done $0x0  }
0x21: {  	[sflag:s16] =	ssyncadd.s32 $0xFFFFFE00  }
0x22: {  	_ =	swait.ge [sflag:s16], $0x200  }
0x23: {  	[sflag:s16] =	ssyncset.done $0x0  }
0x24: {  	[sflag:s16] =	ssyncadd.s32 $0xFFFFFE00  }
0x25: {  	_ =	swait.ge [sflag:s16], $0x200  }
0x26: {  	[sflag:s16] =	ssyncset.done $0x0  }
0x27: {  	[sflag:s16] =	ssyncadd.s32 $0xFFFFFE00  }
0x28: {  	[bflag:$0x0] =	sbarrier.arrive $0xFFFF  }
0x29: {  	[tilespmem:s17], [sflag:$0x1] =	stream.indirect.gather [spmem:s1], $0x48, s13, s14, $0xb8;
	[tilespmem:$0x10680] =	vst v63  }
0x2a: {  	_ = 	snop  }
0x2b: {  	[tilespmem:s19], [sflag:$0x1] =	stream.indirect.gather [spmem:s1], $0x48, s18, s14, $0xb8;
	[tilespmem:$0x10680] =	vst v63  }
0x2c: {  	_ = 	snop  }
0x2d: {  	[tilespmem:s21], [sflag:$0x1] =	stream.indirect.gather [spmem:s1], $0x48, s20, s14, $0xb8;
	[tilespmem:$0x10680] =	vst v63  }
0x2e: {  	v2 =	vmov s2  }
0x2f: {  	v2 =	vmul.u32 $0x48, v2;
	[tilespmem:s23], [sflag:$0x1] =	stream.indirect.gather [spmem:s1], $0x48, s22, s14, $0xb8;
	[tilespmem:$0x10680] =	vst v63  }
0x30: {  	_ =	swait.ge [sflag:s16], $0x2400  }
0x31: {  	v3 =	vbroadcast v2, $0x0;
	[sflag:s16] =	ssyncset.done $0x0  }
0x32: {  	[sflag:s16] =	ssyncadd.s32 $0xFFFFDC00  }
0x33: {  	v4 =	vadd.s32 v0, v3;
	v2 =	vld [tilespmem:s29+$0x0];
	_ =	sdelay $0x4  }
0x34: {  	[tilespmem:v4+s17+$0x0] =	vst.idx.msk $0xffff, v2  }
0x35: {  	s30 =	simm.s32 $0x10;
	v3 =	vadd.s32 v1, v3;
	v2 =	vld [tilespmem:s28+$0x0]  }
0x36: {  	v4 =	vmov s30;
	s30 =	simm.s32 $0x20  }
.LBB2_2:
0x37: {  	p1 =	sne.s32 s30, $0x70;
	v4 =	vmul.u32 $0x48, v4;
	_ =	sdelay $0x1  }
0x38: {  	v4 =	vbroadcast v4, $0x0  }
0x39: {  	s29 =	sadd.s32 $0x10, s29;
	[tilespmem:v3+s17+$0x0] =	vst.idx.msk $0xffff, v2  }
0x3a: {  	v2 =	vld [tilespmem:s29+$0x0];
	v3 =	vadd.s32 v0, v4;
	_ =	sdelay $0x2  }
.Ltmp0:
0x3b: {  	(pc) =	sbr.rel @p1 .LBB2_2-.Ltmp0, $4  }
0x3c: {  	_ = 	snop  }
0x3d: {  	s28 =	sadd.s32 $0x10, s28;
	[tilespmem:v3+s17+$0x0] =	vst.idx.msk $0xffff, v2  }
0x3e: {  	v3 =	vadd.s32 v1, v4;
	v2 =	vld [tilespmem:s28+$0x0]  }
0x3f: {  	v4 =	vmov s30;
	s30 =	sadd.s32 $0x10, s30  }
0x40: {  	_ = 	snop  }
0x41: {  	v4 =	vmul.u32 $0x48, v4;
	_ =	sdelay $0x1  }
0x42: {  	v4 =	vbroadcast v4, $0x0  }
0x43: {  	s29 =	sadd.s32 $0x10, s29;
	[tilespmem:v3+s17+$0x0] =	vst.idx.msk $0xffff, v2  }
0x44: {  	v2 =	vld [tilespmem:s29+$0x0];
	v3 =	vadd.s32 v0, v4;
	_ =	sdelay $0x4  }
0x45: {  	s28 =	sadd.s32 $0x10, s28;
	[tilespmem:v3+s17+$0x0] =	vst.idx.msk $0xffff, v2  }
0x46: {  	v3 =	vadd.s32 v1, v4;
	v2 =	vld [tilespmem:s28+$0x0];
	_ =	sdelay $0x3  }
0x47: {  	s28 =	simm.s32 $0x80  }
0x48: {  	[tilespmem:v3+s17+$0x0] =	vst.idx.msk $0xffff, v2;
	v2 =	vmov s28  }
0x49: {  	[hbm4b:s7+s24] =	stream.strided.scatter [tilespmem:s17], [sflag:$0x2], $0x2400, s28, s24, $0x38;
	v2 =	vmul.u32 $0x48, v2;
	[tilespmem:$0x10680] =	vst v63  }
0x4a: {  	_ =	swait.ge [sflag:s16], $0x2400  }
0x4b: {  	[sflag:s16] =	ssyncset.done $0x0;
	v3 =	vbroadcast v2, $0x0  }
0x4c: {  	s29 =	simm.s32 $0x7300;
	[sflag:s16] =	ssyncadd.s32 $0xFFFFDC00  }
0x4d: {  	v2 =	vld [tilespmem:s29+$0x0];
	v4 =	vadd.s32 v0, v3;
	_ =	sdelay $0x4  }
0x4e: {  	s28 =	simm.s32 $0x7500;
	[tilespmem:v4+s17+$0x0] =	vst.idx.msk $0xffff, v2  }
0x4f: {  	s30 =	simm.s32 $0x90;
	v3 =	vadd.s32 v1, v3;
	v2 =	vld [tilespmem:s28+$0x0]  }
0x50: {  	v4 =	vmov s30;
	s30 =	simm.s32 $0xA0  }
.LBB2_4:
0x51: {  	p1 =	sne.s32 s30, $0xF0;
	v4 =	vmul.u32 $0x48, v4;
	_ =	sdelay $0x1  }
0x52: {  	v4 =	vbroadcast v4, $0x0  }
0x53: {  	s29 =	sadd.s32 $0x10, s29;
	[tilespmem:v3+s17+$0x0] =	vst.idx.msk $0xffff, v2  }
0x54: {  	v2 =	vld [tilespmem:s29+$0x0];
	v3 =	vadd.s32 v0, v4;
	_ =	sdelay $0x2  }
.Ltmp1:
0x55: {  	(pc) =	sbr.rel @p1 .LBB2_4-.Ltmp1, $4  }
0x56: {  	_ = 	snop  }
0x57: {  	s28 =	sadd.s32 $0x10, s28;
	[tilespmem:v3+s17+$0x0] =	vst.idx.msk $0xffff, v2  }
0x58: {  	v3 =	vadd.s32 v1, v4;
	v2 =	vld [tilespmem:s28+$0x0]  }
0x59: {  	v4 =	vmov s30;
	s30 =	sadd.s32 $0x10, s30  }
0x5a: {  	_ = 	snop  }
0x5b: {  	v4 =	vmul.u32 $0x48, v4;
	_ =	sdelay $0x1  }
0x5c: {  	v4 =	vbroadcast v4, $0x0  }
0x5d: {  	s29 =	sadd.s32 $0x10, s29;
	[tilespmem:v3+s17+$0x0] =	vst.idx.msk $0xffff, v2  }
0x5e: {  	v2 =	vld [tilespmem:s29+$0x0];
	v3 =	vadd.s32 v0, v4;
	_ =	sdelay $0x4  }
0x5f: {  	s28 =	sadd.s32 $0x10, s28;
	[tilespmem:v3+s17+$0x0] =	vst.idx.msk $0xffff, v2  }
0x60: {  	v3 =	vadd.s32 v1, v4;
	v2 =	vld [tilespmem:s28+$0x0];
	_ =	sdelay $0x3  }
0x61: {  	s28 =	simm.s32 $0x100  }
0x62: {  	[tilespmem:v3+s17+$0x0] =	vst.idx.msk $0xffff, v2;
	v2 =	vmov s28  }
0x63: {  	[hbm4b:s8+s24] =	stream.strided.scatter [tilespmem:s19], [sflag:$0x2], $0x2400, s14, s24, $0x38;
	v2 =	vmul.u32 $0x48, v2;
	[tilespmem:$0x10680] =	vst v63  }
0x64: {  	_ =	swait.ge [sflag:s16], $0x2400  }
0x65: {  	[sflag:s16] =	ssyncset.done $0x0;
	v3 =	vbroadcast v2, $0x0  }
0x66: {  	s29 =	simm.s32 $0x7380;
	[sflag:s16] =	ssyncadd.s32 $0xFFFFDC00  }
0x67: {  	v2 =	vld [tilespmem:s29+$0x0];
	v4 =	vadd.s32 v0, v3;
	_ =	sdelay $0x4  }
0x68: {  	s28 =	simm.s32 $0x7580;
	[tilespmem:v4+s17+$0x0] =	vst.idx.msk $0xffff, v2  }
0x69: {  	s30 =	simm.s32 $0x110;
	v3 =	vadd.s32 v1, v3;
	v2 =	vld [tilespmem:s28+$0x0]  }
0x6a: {  	v4 =	vmov s30;
	s30 =	simm.s32 $0x120  }
.LBB2_6:
0x6b: {  	p1 =	sne.s32 s30, $0x170;
	v4 =	vmul.u32 $0x48, v4;
	_ =	sdelay $0x1  }
0x6c: {  	v4 =	vbroadcast v4, $0x0  }
0x6d: {  	s29 =	sadd.s32 $0x10, s29;
	[tilespmem:v3+s17+$0x0] =	vst.idx.msk $0xffff, v2  }
0x6e: {  	v2 =	vld [tilespmem:s29+$0x0];
	v3 =	vadd.s32 v0, v4;
	_ =	sdelay $0x2  }
.Ltmp2:
0x6f: {  	(pc) =	sbr.rel @p1 .LBB2_6-.Ltmp2, $4  }
0x70: {  	_ = 	snop  }
0x71: {  	s28 =	sadd.s32 $0x10, s28;
	[tilespmem:v3+s17+$0x0] =	vst.idx.msk $0xffff, v2  }
0x72: {  	v3 =	vadd.s32 v1, v4;
	v2 =	vld [tilespmem:s28+$0x0]  }
0x73: {  	v4 =	vmov s30;
	s30 =	sadd.s32 $0x10, s30  }
0x74: {  	_ = 	snop  }
0x75: {  	v4 =	vmul.u32 $0x48, v4;
	_ =	sdelay $0x1  }
0x76: {  	v4 =	vbroadcast v4, $0x0  }
0x77: {  	s29 =	sadd.s32 $0x10, s29;
	[tilespmem:v3+s17+$0x0] =	vst.idx.msk $0xffff, v2  }
0x78: {  	v2 =	vld [tilespmem:s29+$0x0];
	v3 =	vadd.s32 v0, v4;
	_ =	sdelay $0x4  }
0x79: {  	s28 =	sadd.s32 $0x10, s28;
	[tilespmem:v3+s17+$0x0] =	vst.idx.msk $0xffff, v2  }
0x7a: {  	v3 =	vadd.s32 v1, v4;
	v2 =	vld [tilespmem:s28+$0x0];
	_ =	sdelay $0x3  }
0x7b: {  	s28 =	simm.s32 $0x180  }
0x7c: {  	[tilespmem:v3+s17+$0x0] =	vst.idx.msk $0xffff, v2;
	v2 =	vmov s28  }
0x7d: {  	[hbm4b:s9+s24] =	stream.strided.scatter [tilespmem:s21], [sflag:$0x2], $0x2400, s14, s24, $0x38;
	v2 =	vmul.u32 $0x48, v2;
	[tilespmem:$0x10680] =	vst v63  }
0x7e: {  	_ =	swait.ge [sflag:s16], $0x2400  }
0x7f: {  	[sflag:s16] =	ssyncset.done $0x0;
	v3 =	vbroadcast v2, $0x0  }
0x80: {  	s29 =	simm.s32 $0x7400;
	[sflag:s16] =	ssyncadd.s32 $0xFFFFDC00  }
0x81: {  	v2 =	vld [tilespmem:s29+$0x0];
	v4 =	vadd.s32 v0, v3;
	_ =	sdelay $0x4  }
0x82: {  	s28 =	simm.s32 $0x7600;
	[tilespmem:v4+s17+$0x0] =	vst.idx.msk $0xffff, v2  }
0x83: {  	s30 =	simm.s32 $0x190;
	v3 =	vadd.s32 v1, v3;
	v2 =	vld [tilespmem:s28+$0x0]  }
0x84: {  	v4 =	vmov s30;
	s30 =	simm.s32 $0x1A0  }
.LBB2_8:
0x85: {  	p1 =	sne.s32 s30, $0x1F0;
	v4 =	vmul.u32 $0x48, v4;
	_ =	sdelay $0x1  }
0x86: {  	v4 =	vbroadcast v4, $0x0  }
0x87: {  	s29 =	sadd.s32 $0x10, s29;
	[tilespmem:v3+s17+$0x0] =	vst.idx.msk $0xffff, v2  }
0x88: {  	v2 =	vld [tilespmem:s29+$0x0];
	v3 =	vadd.s32 v0, v4;
	_ =	sdelay $0x2  }
.Ltmp3:
0x89: {  	(pc) =	sbr.rel @p1 .LBB2_8-.Ltmp3, $4  }
0x8a: {  	_ = 	snop  }
0x8b: {  	s28 =	sadd.s32 $0x10, s28;
	[tilespmem:v3+s17+$0x0] =	vst.idx.msk $0xffff, v2  }
0x8c: {  	v3 =	vadd.s32 v1, v4;
	v2 =	vld [tilespmem:s28+$0x0]  }
0x8d: {  	v4 =	vmov s30;
	s30 =	sadd.s32 $0x10, s30  }
0x8e: {  	_ = 	snop  }
0x8f: {  	v4 =	vmul.u32 $0x48, v4;
	_ =	sdelay $0x1  }
0x90: {  	v4 =	vbroadcast v4, $0x0  }
0x91: {  	s29 =	sadd.s32 $0x10, s29;
	[tilespmem:v3+s17+$0x0] =	vst.idx.msk $0xffff, v2  }
0x92: {  	v2 =	vld [tilespmem:s29+$0x0];
	v3 =	vadd.s32 v0, v4;
	_ =	sdelay $0x4  }
0x93: {  	s28 =	sadd.s32 $0x10, s28;
	[tilespmem:v3+s17+$0x0] =	vst.idx.msk $0xffff, v2  }
0x94: {  	v3 =	vadd.s32 v1, v4;
	v2 =	vld [tilespmem:s28+$0x0];
	_ =	sdelay $0x4  }
0x95: {  	[tilespmem:v3+s17+$0x0] =	vst.idx.msk $0xffff, v2  }
0x96: {  	[hbm4b:s10+s24] =	stream.strided.scatter [tilespmem:s23], [sflag:$0x2], $0x2400, s14, s24, $0x38;
	[tilespmem:$0x10680] =	vst v63  }
0x97: {  	_ =	swait.ge [sflag:s25], $0x2400  }
0x98: {  	[sflag:s25] =	ssyncset.done $0x0  }
0x99: {  	[sflag:s25] =	ssyncadd.s32 $0xFFFFDC00  }
0x9a: {  	_ =	swait.ge [sflag:s25], $0x2400  }
0x9b: {  	[sflag:s25] =	ssyncset.done $0x0  }
0x9c: {  	s26 =	sadd.s32 $0x1, s26;
	[sflag:s25] =	ssyncadd.s32 $0xFFFFDC00  }
0x9d: {  	p1 =	sne.s32 s26, s11;
	_ =	swait.ge [sflag:s25], $0x2400  }
.Ltmp4:
0x9e: {  	[sflag:s25] =	ssyncset.done $0x0;
	(pc) =	sbr.rel @p1 .LBB2_1-.Ltmp4, $4  }
0x9f: {  	[sflag:s25] =	ssyncadd.s32 $0xFFFFDC00  }
0xa0: {  	_ =	swait.ge [sflag:s25], $0x2400  }
0xa1: {  	[sflag:s25] =	ssyncset.done $0x0  }
0xa2: {  	[sflag:s25] =	ssyncadd.s32 $0xFFFFDC00  }
0xa3: {  	_ =	sfence.sel $0x180000  }
0xa4: {  	[bflag:$0x0] =	sbarrier.arrive $0xFFFF  }
0xa5: {  	_ =	strace $0x90000047  }
0xa6: {  	s0 =	sadd.s32 @!p0 $0x100000, s0;
	[bflag:$0x2] =	sbarrier.arrive $0xFFFF  }
0xa7: {  	[sflag:s0] =	ssyncadd.tile.s32 @!p0 $0x1;
	_ =	shalt  }
.Lfunc_end2:
_tile_overlayer_lowered:
.L_overlay_start_2:
0xa8: {  	(tag) =	ssettag $0x2  }
0xa9: {  	s0 =	rddreg [dreg:$0x0];
	s2 =	stileid.u32  }
0xaa: {  	s1 =	rddreg [dreg:$0x1];
	p0 =	sne.s32 s2, $0x0  }
0xab: {  	s3 =	rddreg [dreg:$0x2];
	[bflag:$0x3] =	sbarrier.arrive $0xFFFF;
	s2 =	simm.s32 @!p0 $0x1C03  }
0xac: {  	[timem:s3], [sflag:s2] =	dma.local @!p0 [hbm:s0], s1  }
0xad: {  	s0 =	simm.s32 @!p0 $0x3  }
0xae: {  	_ =	swait.ge @!p0 [sflag:s0], s1  }
0xaf: {  	s1 =	ssub.s32 @!p0 $0x0, s1;
	[sflag:s0] =	ssyncset.done @!p0 $0x0  }
0xb0: {  	[sflag:s0] =	ssyncadd.s32 @!p0 s1  }
0xb1: {  	[bflag:$0x3] =	sbarrier.arrive $0xFFFF  }
0xb2: {  	_ =	shalt  }

</sc_bundles>
